<compile_context>
chip_gen: v7x
topology: tpu7x:2x2x1
jax: 0.10.2.dev20260603
libtpu: 0.0.44.dev20260713+nightly
codegen_flags: <defaults>
</compile_context>

<pallas_src>
import functools

import jax
import jax.numpy as jnp
from jax import lax
from jax.experimental import pallas as pl
from jax.experimental.pallas import tpu as pltpu
from jax.experimental.pallas import tpu_sc as plsc

_N = 10000
_NP = 10240
_E = 320000
_D = 128

_NC = 2
_NS = 16
_NW = _NC * _NS
_EPW = _E // _NW
_B = 80
_CHUNKS = _EPW // _B
_RPT = _NP // _NS

_mesh = plsc.VectorSubcoreMesh(core_axis_name="c", subcore_axis_name="s")


@functools.partial(
    pl.kernel,
    out_type=jax.ShapeDtypeStruct((_NC, _NP, _D), jnp.float32),
    mesh=_mesh,
    scratch_types=[
        pltpu.VMEM((_EPW,), jnp.int32),
        pltpu.VMEM((_CHUNKS, _B), jnp.int32),
        pltpu.VMEM_SHARED((_NP, _D), jnp.float32),
        pltpu.VMEM((_B, _D), jnp.float32),
        pltpu.VMEM((_B, _D), jnp.float32),
        pltpu.SemaphoreType.DMA,
        pltpu.SemaphoreType.DMA,
        pltpu.SemaphoreType.DMA,
        pltpu.SemaphoreType.DMA,
    ],
)
def _sc_agg(h_hbm, row2, col3, z_hbm, agg_out, rowv, colv, agg_sh,
            buf0, buf1, gs0, gs1, ss0, ss1):
  bufs = (buf0, buf1)
  gsem = (gs0, gs1)
  ssem = (ss0, ss1)
  c = lax.axis_index("c")
  s = lax.axis_index("s")
  wid = c * _NS + s

  pltpu.sync_copy(z_hbm.at[pl.ds(s * _RPT, _RPT)],
                  agg_sh.at[pl.ds(s * _RPT, _RPT)])
  pltpu.sync_copy(row2.at[wid], rowv)
  pltpu.sync_copy(col3.at[wid], colv)
  plsc.subcore_barrier()

  def gather(j, b):
    pltpu.async_copy(h_hbm.at[rowv.at[pl.ds(j * _B, _B)]], bufs[b], gsem[b])

  def gather_wait(j, b):
    pltpu.make_async_copy(h_hbm.at[rowv.at[pl.ds(j * _B, _B)]], bufs[b],
                          gsem[b]).wait()

  def scatter(j, b):
    pltpu.async_copy(bufs[b], agg_sh.at[colv.at[j]], ssem[b], add=True)

  def scatter_wait(j, b):
    pltpu.make_async_copy(bufs[b], agg_sh.at[colv.at[j]], ssem[b]).wait()

  gather(0, 0)
  gather(1, 1)

  def group(g, carry):
    j0 = 2 * g
    j1 = j0 + 1
    gather_wait(j0, 0)
    scatter(j0, 0)
    gather_wait(j1, 1)
    scatter(j1, 1)
    scatter_wait(j0, 0)
    gather(j0 + 2, 0)
    scatter_wait(j1, 1)
    gather(j1 + 2, 1)
    return carry

  lax.fori_loop(0, 61, group, 0)

  gather_wait(122, 0)
  scatter(122, 0)
  gather_wait(123, 1)
  scatter(123, 1)
  scatter_wait(122, 0)
  gather(124, 0)
  scatter_wait(123, 1)
  gather_wait(124, 0)
  scatter(124, 0)
  scatter_wait(124, 0)

  plsc.subcore_barrier()
  pltpu.sync_copy(agg_sh.at[pl.ds(s * _RPT, _RPT)],
                  agg_out.at[c, pl.ds(s * _RPT, _RPT)])


@functools.partial(
    pl.kernel,
    out_type=jax.ShapeDtypeStruct((_NC, _NP, _D), jnp.float32),
    mesh=_mesh,
    scratch_types=[
        pltpu.VMEM((_CHUNKS, _B), jnp.int32),
        pltpu.VMEM((_B, _D), jnp.float32),
        pltpu.VMEM_SHARED((_NP, _D), jnp.float32),
        pltpu.SemaphoreType.DMA,
    ],
)
def _sc_deg(col3, z_hbm, ones_hbm, deg_out, colv, onesv, deg_sh, sem):
  c = lax.axis_index("c")
  s = lax.axis_index("s")
  wid = c * _NS + s

  pltpu.sync_copy(z_hbm.at[pl.ds(s * _RPT, _RPT)],
                  deg_sh.at[pl.ds(s * _RPT, _RPT)])
  pltpu.sync_copy(ones_hbm, onesv)
  pltpu.sync_copy(col3.at[wid], colv)
  plsc.subcore_barrier()

  def wave(w, carry):
    def fire(j, carry2):
      pltpu.async_copy(onesv, deg_sh.at[colv.at[w * 25 + j]], sem, add=True)
      return carry2

    lax.fori_loop(0, 25, fire, 0)

    def drain(j, carry2):
      pltpu.make_async_copy(onesv, deg_sh.at[colv.at[w * 25 + j]], sem).wait()
      return carry2

    lax.fori_loop(0, 25, drain, 0)
    return carry

  lax.fori_loop(0, _CHUNKS // 25, wave, 0)

  plsc.subcore_barrier()
  pltpu.sync_copy(deg_sh.at[pl.ds(s * _RPT, _RPT)],
                  deg_out.at[c, pl.ds(s * _RPT, _RPT)])


def _combine_body(with_relu, p_ref, h_ref, dp_ref, w_ref, b_ref, o_ref):
  agg = p_ref[0] + p_ref[1] + h_ref[...]
  deg = dp_ref[0, :, 0:1] + dp_ref[1, :, 0:1] + 1.0
  neigh = agg / deg
  y = jnp.dot(neigh, w_ref[...], preferred_element_type=jnp.float32,
              precision=lax.Precision.HIGHEST) + b_ref[...]
  if with_relu:
    y = jnp.maximum(y, 0.0)
  o_ref[...] = y


def _combine(p, h, dp, w, b, with_relu):
  rows = 2048
  grid = _NP // rows
  return pl.pallas_call(
      functools.partial(_combine_body, with_relu),
      grid=(grid,),
      in_specs=[
          pl.BlockSpec((_NC, rows, _D), lambda i: (0, i, 0)),
          pl.BlockSpec((rows, _D), lambda i: (i, 0)),
          pl.BlockSpec((_NC, rows, _D), lambda i: (0, i, 0)),
          pl.BlockSpec((_D, _D), lambda i: (0, 0)),
          pl.BlockSpec((1, _D), lambda i: (0, 0)),
      ],
      out_specs=pl.BlockSpec((rows, _D), lambda i: (i, 0)),
      out_shape=jax.ShapeDtypeStruct((_NP, _D), jnp.float32),
  )(p, h, dp, w, b)


@jax.jit
def kernel(x, edge_index, W1, b1, W2, b2):
  row2 = edge_index[0].reshape(_NW, _EPW)
  col3 = edge_index[1].reshape(_NW, _CHUNKS, _B)
  xp = jnp.pad(x, ((0, _NP - _N), (0, 0)))
  z = jnp.zeros((_NP, _D), jnp.float32)
  ones = jnp.ones((_B, _D), jnp.float32)
  b1r = b1.reshape(1, _D)
  b2r = b2.reshape(1, _D)

  dp = _sc_deg(col3, z, ones)
  p1 = _sc_agg(xp, row2, col3, z)
  h1 = _combine(p1, xp, dp, W1, b1r, with_relu=True)
  p2 = _sc_agg(h1, row2, col3, z)
  out = _combine(p2, h1, dp, W2, b2r, with_relu=False)
  return out[:_N]

# --- scband reference (transcript-rebuilt; emitter-appended) ---
"""Pipeline reference for scband-sage-57372173140138 (READ-ONLY COPY).

The authoritative reference and input builder live on the scoring server;
editing this copy changes nothing except your own understanding.
"""

import jax, jax.numpy as jnp
import numpy as np

N = 10000
E = 320000
D_IN = 128
D_HID = 128
D_OUT = 128


def setup_inputs(seed: int = 0) -> dict:
    key = jax.random.key(seed)
    k1, k2, k3, k4, k5, k6 = jax.random.split(key, 6)
    x = jax.random.normal(k1, (N, D_IN), dtype=jnp.float32)
    edge_index = jax.random.randint(k2, (2, E), 0, N, dtype=jnp.int32)
    # xavier-uniform init (gain for relu) for fc_neigh weights, stored as [in, out]
    gain = float(np.sqrt(2.0))
    lim1 = gain * float(np.sqrt(6.0 / (D_IN + D_HID)))
    lim2 = gain * float(np.sqrt(6.0 / (D_HID + D_OUT)))
    W1 = jax.random.uniform(k3, (D_IN, D_HID), dtype=jnp.float32, minval=-lim1, maxval=lim1)
    b1 = jnp.zeros((D_HID,), dtype=jnp.float32)
    W2 = jax.random.uniform(k4, (D_HID, D_OUT), dtype=jnp.float32, minval=-lim2, maxval=lim2)
    b2 = jnp.zeros((D_OUT,), dtype=jnp.float32)
    return {"x": x, "edge_index": edge_index, "W1": W1, "b1": b1, "W2": W2, "b2": b2}


def _sage_gcn_layer(h, row, col, W, b):
    # A_hat = A + I; D_hat = diag(A_hat.sum(0))^{-1}; neigh = (A_hat @ D_hat).T @ h
    # => neigh[i] = (sum_{edges (j->i)} h[j] + h[i]) / (in_deg(i) + 1)
    # lin_before_mp = (in_feats > out_feats) is False here (128 == 128),
    # so aggregate first, then apply fc_neigh; gcn aggregator adds bias after.
    deg = jnp.zeros((N,), dtype=h.dtype).at[col].add(1.0) + 1.0
    agg = jnp.zeros((N, h.shape[1]), dtype=h.dtype).at[col].add(h[row]) + h
    neigh = agg / deg[:, None]
    return neigh @ W + b


def reference(x, edge_index, W1, b1, W2, b2):
    row = edge_index[0]
    col = edge_index[1]
    h1 = _sage_gcn_layer(x, row, col, W1, b1)
    h1 = jax.nn.relu(h1)
    # dropout is identity in eval / deterministic reference
    out = _sage_gcn_layer(h1, row, col, W2, b2)
    return out

if __name__ == "__main__":
    import jax
    _d = setup_inputs()
    print(jax.jit(kernel)(*tuple(_d.values())))

</pallas_src>

<mosaic_0001>
#map = affine_map<(d0, d1) -> (0, 0)>
#map1 = affine_map<(d0, d1) -> (0, 0, 0)>
module attributes {stable_mosaic.version = 14 : i64} {
  func.func @_sc_agg(%arg0: i32, %arg1: i32, %arg2: memref<10240x128xf32, #tpu.memory_space<hbm>>, %arg3: memref<32x10000xi32, #tpu.memory_space<hbm>>, %arg4: memref<32x125x80xi32, #tpu.memory_space<hbm>>, %arg5: memref<10240x128xf32, #tpu.memory_space<hbm>>, %arg6: memref<2x10240x128xf32, #tpu.memory_space<hbm>>, %arg7: memref<10000xi32, #tpu.memory_space<vmem>>, %arg8: memref<125x80xi32, #tpu.memory_space<vmem>>, %arg9: memref<10240x128xf32, #tpu.memory_space<vmem_shared>>, %arg10: memref<80x128xf32, #tpu.memory_space<vmem>>, %arg11: memref<80x128xf32, #tpu.memory_space<vmem>>, %arg12: memref<!tpu.dma_semaphore, #tpu.memory_space<semaphore_mem>>, %arg13: memref<!tpu.dma_semaphore, #tpu.memory_space<semaphore_mem>>, %arg14: memref<!tpu.dma_semaphore, #tpu.memory_space<semaphore_mem>>, %arg15: memref<!tpu.dma_semaphore, #tpu.memory_space<semaphore_mem>>) attributes {dimension_semantics = [#tpu.dimension_semantics<core_parallel>, #tpu.dimension_semantics<subcore_parallel>], iteration_bounds = array<i64: 2, 16>, scalar_prefetch = 0 : i64, scratch_operands = 9 : i64, tpu.core_type = #tpu.core_type<sc_vector_subcore>, window_params = [{transform_indices = #map}, {transform_indices = #map}, {transform_indices = #map1}, {transform_indices = #map}, {transform_indices = #map1}]} {
    %mul3A = arith.constant 16 : i32
    %mul3A_0 = arith.muli %arg0, %mul3A : i32
    %add3A = arith.addi %mul3A_0, %arg1 : i32
    %mul3A_1 = arith.constant 640 : i32
    %mul3A_2 = arith.muli %arg1, %mul3A_1 : i32
    %mul3A_3 = arith.constant 640 : i32
    %mul3A_4 = arith.muli %arg1, %mul3A_3 : i32
    "tpu.region"() ({
      %run_scoped3A = tpu.sem_alloc : memref<!tpu.dma_semaphore, #tpu.memory_space<semaphore_mem>>
      %dma_start3A_85 = arith.constant 0 : i32
      %dma_start3A_86 = tpu.memref_slice %arg9[%mul3A_4, %dma_start3A_85] : memref<10240x128xf32, #tpu.memory_space<vmem_shared>> -> memref<640x128xf32, #tpu.memory_space<vmem_shared>>
      %dma_start3A_87 = arith.constant 0 : i32
      %dma_start3A_88 = tpu.memref_slice %arg5[%mul3A_2, %dma_start3A_87] : memref<10240x128xf32, #tpu.memory_space<hbm>> -> memref<640x128xf32, #tpu.memory_space<hbm>>
      tpu.enqueue_dma source(%dma_start3A_88 : memref<640x128xf32, #tpu.memory_space<hbm>>) target(%dma_start3A_86 : memref<640x128xf32, #tpu.memory_space<vmem_shared>>) target_semaphore(%run_scoped3A : memref<!tpu.dma_semaphore, #tpu.memory_space<semaphore_mem>>)
      %dma_wait3A_89 = arith.constant 0 : i32
      %dma_wait3A_90 = tpu.memref_slice %arg9[%mul3A_4, %dma_wait3A_89] : memref<10240x128xf32, #tpu.memory_space<vmem_shared>> -> memref<640x128xf32, #tpu.memory_space<vmem_shared>>
      %dma_wait3A_91 = arith.constant 0 : i32
      %dma_wait3A_92 = tpu.memref_slice %arg5[%mul3A_2, %dma_wait3A_91] : memref<10240x128xf32, #tpu.memory_space<hbm>> -> memref<640x128xf32, #tpu.memory_space<hbm>>
      tpu.wait_dma2 semaphore(%run_scoped3A : memref<!tpu.dma_semaphore, #tpu.memory_space<semaphore_mem>>) src(%dma_wait3A_92 : memref<640x128xf32, #tpu.memory_space<hbm>>) dst(%dma_wait3A_90 : memref<640x128xf32, #tpu.memory_space<vmem_shared>>)
      tpu.yield
    }) : () -> ()
    "tpu.region"() ({
      %run_scoped3A = tpu.sem_alloc : memref<!tpu.dma_semaphore, #tpu.memory_space<semaphore_mem>>
      %dma_start3A_85 = arith.constant 0 : i32
      %dma_start3A_86 = tpu.memref_slice %arg3[%add3A, %dma_start3A_85] : memref<32x10000xi32, #tpu.memory_space<hbm>> -> memref<1x10000xi32, #tpu.memory_space<hbm>>
      %dma_start3A_87 = tpu.memref_squeeze %dma_start3A_86 : memref<1x10000xi32, #tpu.memory_space<hbm>> -> memref<10000xi32, #tpu.memory_space<hbm>>
      %dma_start3A_88 = arith.constant 0 : i32
      %dma_start3A_89 = tpu.memref_slice %arg3[%add3A, %dma_start3A_88] : memref<32x10000xi32, #tpu.memory_space<hbm>> -> memref<1x10000xi32, #tpu.memory_space<hbm>>
      %dma_start3A_90 = tpu.memref_squeeze %dma_start3A_89 : memref<1x10000xi32, #tpu.memory_space<hbm>> -> memref<10000xi32, #tpu.memory_space<hbm>>
      tpu.enqueue_dma source(%dma_start3A_90 : memref<10000xi32, #tpu.memory_space<hbm>>) target(%arg7 : memref<10000xi32, #tpu.memory_space<vmem>>) target_semaphore(%run_scoped3A : memref<!tpu.dma_semaphore, #tpu.memory_space<semaphore_mem>>)
      %dma_wait3A_91 = arith.constant 0 : i32
      %dma_wait3A_92 = tpu.memref_slice %arg3[%add3A, %dma_wait3A_91] : memref<32x10000xi32, #tpu.memory_space<hbm>> -> memref<1x10000xi32, #tpu.memory_space<hbm>>
      %dma_wait3A_93 = tpu.memref_squeeze %dma_wait3A_92 : memref<1x10000xi32, #tpu.memory_space<hbm>> -> memref<10000xi32, #tpu.memory_space<hbm>>
      %dma_wait3A_94 = arith.constant 0 : i32
      %dma_wait3A_95 = tpu.memref_slice %arg3[%add3A, %dma_wait3A_94] : memref<32x10000xi32, #tpu.memory_space<hbm>> -> memref<1x10000xi32, #tpu.memory_space<hbm>>
      %dma_wait3A_96 = tpu.memref_squeeze %dma_wait3A_95 : memref<1x10000xi32, #tpu.memory_space<hbm>> -> memref<10000xi32, #tpu.memory_space<hbm>>
      tpu.wait_dma2 semaphore(%run_scoped3A : memref<!tpu.dma_semaphore, #tpu.memory_space<semaphore_mem>>) src(%dma_wait3A_96 : memref<10000xi32, #tpu.memory_space<hbm>>) dst(%arg7 : memref<10000xi32, #tpu.memory_space<vmem>>)
      tpu.yield
    }) : () -> ()
    "tpu.region"() ({
      %run_scoped3A = tpu.sem_alloc : memref<!tpu.dma_semaphore, #tpu.memory_space<semaphore_mem>>
      %dma_start3A_85 = arith.constant 0 : i32
      %dma_start3A_86 = arith.constant 0 : i32
      %dma_start3A_87 = tpu.memref_slice %arg4[%add3A, %dma_start3A_85, %dma_start3A_86] : memref<32x125x80xi32, #tpu.memory_space<hbm>> -> memref<1x125x80xi32, #tpu.memory_space<hbm>>
      %dma_start3A_88 = tpu.memref_squeeze %dma_start3A_87 : memref<1x125x80xi32, #tpu.memory_space<hbm>> -> memref<125x80xi32, #tpu.memory_space<hbm>>
      %dma_start3A_89 = arith.constant 0 : i32
      %dma_start3A_90 = arith.constant 0 : i32
      %dma_start3A_91 = tpu.memref_slice %arg4[%add3A, %dma_start3A_89, %dma_start3A_90] : memref<32x125x80xi32, #tpu.memory_space<hbm>> -> memref<1x125x80xi32, #tpu.memory_space<hbm>>
      %dma_start3A_92 = tpu.memref_squeeze %dma_start3A_91 : memref<1x125x80xi32, #tpu.memory_space<hbm>> -> memref<125x80xi32, #tpu.memory_space<hbm>>
      tpu.enqueue_dma source(%dma_start3A_92 : memref<125x80xi32, #tpu.memory_space<hbm>>) target(%arg8 : memref<125x80xi32, #tpu.memory_space<vmem>>) target_semaphore(%run_scoped3A : memref<!tpu.dma_semaphore, #tpu.memory_space<semaphore_mem>>)
      %dma_wait3A_93 = arith.constant 0 : i32
      %dma_wait3A_94 = arith.constant 0 : i32
      %dma_wait3A_95 = tpu.memref_slice %arg4[%add3A, %dma_wait3A_93, %dma_wait3A_94] : memref<32x125x80xi32, #tpu.memory_space<hbm>> -> memref<1x125x80xi32, #tpu.memory_space<hbm>>
      %dma_wait3A_96 = tpu.memref_squeeze %dma_wait3A_95 : memref<1x125x80xi32, #tpu.memory_space<hbm>> -> memref<125x80xi32, #tpu.memory_space<hbm>>
      %dma_wait3A_97 = arith.constant 0 : i32
      %dma_wait3A_98 = arith.constant 0 : i32
      %dma_wait3A_99 = tpu.memref_slice %arg4[%add3A, %dma_wait3A_97, %dma_wait3A_98] : memref<32x125x80xi32, #tpu.memory_space<hbm>> -> memref<1x125x80xi32, #tpu.memory_space<hbm>>
      %dma_wait3A_100 = tpu.memref_squeeze %dma_wait3A_99 : memref<1x125x80xi32, #tpu.memory_space<hbm>> -> memref<125x80xi32, #tpu.memory_space<hbm>>
      tpu.wait_dma2 semaphore(%run_scoped3A : memref<!tpu.dma_semaphore, #tpu.memory_space<semaphore_mem>>) src(%dma_wait3A_100 : memref<125x80xi32, #tpu.memory_space<hbm>>) dst(%arg8 : memref<125x80xi32, #tpu.memory_space<vmem>>)
      tpu.yield
    }) : () -> ()
    %barrier3A = arith.constant 0 : index
    tpu.barrier barrier_id(%barrier3A)
    %dma_start3A = arith.constant 0 : i32
    %dma_start3A_5 = tpu.memref_slice %arg7[%dma_start3A] : memref<10000xi32, #tpu.memory_space<vmem>> -> memref<80xi32, #tpu.memory_space<vmem>>
    %dma_start3A_6 = arith.constant 0 : i32
    %dma_start3A_7 = arith.constant 0 : i32
    %dma_start3A_8 = tpu.memref_slice %arg2[%dma_start3A_6, %dma_start3A_7] : memref<10240x128xf32, #tpu.memory_space<hbm>> -> memref<10240x128xf32, #tpu.memory_space<hbm>>
    tpu.enqueue_indirect_dma source(%dma_start3A_8 : memref<10240x128xf32, #tpu.memory_space<hbm>>) target(%arg10 : memref<80x128xf32, #tpu.memory_space<vmem>>) offsets(%dma_start3A_5 : memref<80xi32, #tpu.memory_space<vmem>>) semaphore(%arg12 : memref<!tpu.dma_semaphore, #tpu.memory_space<semaphore_mem>>)
    %dma_start3A_9 = arith.constant 80 : i32
    %dma_start3A_10 = tpu.memref_slice %arg7[%dma_start3A_9] : memref<10000xi32, #tpu.memory_space<vmem>> -> memref<80xi32, #tpu.memory_space<vmem>>
    %dma_start3A_11 = arith.constant 0 : i32
    %dma_start3A_12 = arith.constant 0 : i32
    %dma_start3A_13 = tpu.memref_slice %arg2[%dma_start3A_11, %dma_start3A_12] : memref<10240x128xf32, #tpu.memory_space<hbm>> -> memref<10240x128xf32, #tpu.memory_space<hbm>>
    tpu.enqueue_indirect_dma source(%dma_start3A_13 : memref<10240x128xf32, #tpu.memory_space<hbm>>) target(%arg11 : memref<80x128xf32, #tpu.memory_space<vmem>>) offsets(%dma_start3A_10 : memref<80xi32, #tpu.memory_space<vmem>>) semaphore(%arg13 : memref<!tpu.dma_semaphore, #tpu.memory_space<semaphore_mem>>)
    %scan3A = arith.constant 0 : i32
    %scan3A_14 = arith.constant 0 : i32
    %scan3A_15 = arith.constant 61 : i32
    %scan3A_16 = arith.addi %scan3A_14, %scan3A_15 : i32
    %scan3A_17 = arith.constant 1 : i32
    scf.for %scan3A_85 = %scan3A_14 to %scan3A_16 step %scan3A_17  : i32 {
      %mul3A_86 = arith.constant 2 : i32
      %mul3A_87 = arith.muli %mul3A_86, %scan3A_85 : i32
      %add3A_88 = arith.constant 1 : i32
      %add3A_89 = arith.addi %mul3A_87, %add3A_88 : i32
      %mul3A_90 = arith.constant 80 : i32
      %mul3A_91 = arith.muli %mul3A_87, %mul3A_90 : i32
      %dma_wait3A_92 = tpu.memref_slice %arg7[%mul3A_91] : memref<10000xi32, #tpu.memory_space<vmem>> -> memref<80xi32, #tpu.memory_space<vmem>>
      %dma_wait3A_93 = arith.constant 0 : i32
      %dma_wait3A_94 = arith.constant 0 : i32
      %dma_wait3A_95 = tpu.memref_slice %arg2[%dma_wait3A_93, %dma_wait3A_94] : memref<10240x128xf32, #tpu.memory_space<hbm>> -> memref<10240x128xf32, #tpu.memory_space<hbm>>
      tpu.wait_indirect_dma semaphore(%arg12 : memref<!tpu.dma_semaphore, #tpu.memory_space<semaphore_mem>>) src(%dma_wait3A_95 : memref<10240x128xf32, #tpu.memory_space<hbm>>) dst(%arg10 : memref<80x128xf32, #tpu.memory_space<vmem>>)
      %dma_start3A_96 = arith.constant 0 : i32
      %dma_start3A_97 = tpu.memref_slice %arg8[%mul3A_87, %dma_start3A_96] : memref<125x80xi32, #tpu.memory_space<vmem>> -> memref<1x80xi32, #tpu.memory_space<vmem>>
      %dma_start3A_98 = tpu.memref_squeeze %dma_start3A_97 : memref<1x80xi32, #tpu.memory_space<vmem>> -> memref<80xi32, #tpu.memory_space<vmem>>
      %dma_start3A_99 = arith.constant 0 : i32
      %dma_start3A_100 = arith.constant 0 : i32
      %dma_start3A_101 = tpu.memref_slice %arg9[%dma_start3A_99, %dma_start3A_100] : memref<10240x128xf32, #tpu.memory_space<vmem_shared>> -> memref<10240x128xf32, #tpu.memory_space<vmem_shared>>
      tpu.enqueue_indirect_dma source(%arg10 : memref<80x128xf32, #tpu.memory_space<vmem>>) target(%dma_start3A_101 : memref<10240x128xf32, #tpu.memory_space<vmem_shared>>) offsets(%dma_start3A_98 : memref<80xi32, #tpu.memory_space<vmem>>) semaphore(%arg14 : memref<!tpu.dma_semaphore, #tpu.memory_space<semaphore_mem>>) {add = true}
      %mul3A_102 = arith.constant 80 : i32
      %mul3A_103 = arith.muli %add3A_89, %mul3A_102 : i32
      %dma_wait3A_104 = tpu.memref_slice %arg7[%mul3A_103] : memref<10000xi32, #tpu.memory_space<vmem>> -> memref<80xi32, #tpu.memory_space<vmem>>
      %dma_wait3A_105 = arith.constant 0 : i32
      %dma_wait3A_106 = arith.constant 0 : i32
      %dma_wait3A_107 = tpu.memref_slice %arg2[%dma_wait3A_105, %dma_wait3A_106] : memref<10240x128xf32, #tpu.memory_space<hbm>> -> memref<10240x128xf32, #tpu.memory_space<hbm>>
      tpu.wait_indirect_dma semaphore(%arg13 : memref<!tpu.dma_semaphore, #tpu.memory_space<semaphore_mem>>) src(%dma_wait3A_107 : memref<10240x128xf32, #tpu.memory_space<hbm>>) dst(%arg11 : memref<80x128xf32, #tpu.memory_space<vmem>>)
      %dma_start3A_108 = arith.constant 0 : i32
      %dma_start3A_109 = tpu.memref_slice %arg8[%add3A_89, %dma_start3A_108] : memref<125x80xi32, #tpu.memory_space<vmem>> -> memref<1x80xi32, #tpu.memory_space<vmem>>
      %dma_start3A_110 = tpu.memref_squeeze %dma_start3A_109 : memref<1x80xi32, #tpu.memory_space<vmem>> -> memref<80xi32, #tpu.memory_space<vmem>>
      %dma_start3A_111 = arith.constant 0 : i32
      %dma_start3A_112 = arith.constant 0 : i32
      %dma_start3A_113 = tpu.memref_slice %arg9[%dma_start3A_111, %dma_start3A_112] : memref<10240x128xf32, #tpu.memory_space<vmem_shared>> -> memref<10240x128xf32, #tpu.memory_space<vmem_shared>>
      tpu.enqueue_indirect_dma source(%arg11 : memref<80x128xf32, #tpu.memory_space<vmem>>) target(%dma_start3A_113 : memref<10240x128xf32, #tpu.memory_space<vmem_shared>>) offsets(%dma_start3A_110 : memref<80xi32, #tpu.memory_space<vmem>>) semaphore(%arg15 : memref<!tpu.dma_semaphore, #tpu.memory_space<semaphore_mem>>) {add = true}
      %dma_wait3A_114 = arith.constant 0 : i32
      %dma_wait3A_115 = tpu.memref_slice %arg8[%mul3A_87, %dma_wait3A_114] : memref<125x80xi32, #tpu.memory_space<vmem>> -> memref<1x80xi32, #tpu.memory_space<vmem>>
      %dma_wait3A_116 = tpu.memref_squeeze %dma_wait3A_115 : memref<1x80xi32, #tpu.memory_space<vmem>> -> memref<80xi32, #tpu.memory_space<vmem>>
      %dma_wait3A_117 = arith.constant 0 : i32
      %dma_wait3A_118 = arith.constant 0 : i32
      %dma_wait3A_119 = tpu.memref_slice %arg9[%dma_wait3A_117, %dma_wait3A_118] : memref<10240x128xf32, #tpu.memory_space<vmem_shared>> -> memref<10240x128xf32, #tpu.memory_space<vmem_shared>>
      tpu.wait_indirect_dma semaphore(%arg14 : memref<!tpu.dma_semaphore, #tpu.memory_space<semaphore_mem>>) src(%arg10 : memref<80x128xf32, #tpu.memory_space<vmem>>) dst(%dma_wait3A_119 : memref<10240x128xf32, #tpu.memory_space<vmem_shared>>)
      %add3A_120 = arith.constant 2 : i32
      %add3A_121 = arith.addi %mul3A_87, %add3A_120 : i32
      %mul3A_122 = arith.constant 80 : i32
      %mul3A_123 = arith.muli %add3A_121, %mul3A_122 : i32
      %dma_start3A_124 = tpu.memref_slice %arg7[%mul3A_123] : memref<10000xi32, #tpu.memory_space<vmem>> -> memref<80xi32, #tpu.memory_space<vmem>>
      %dma_start3A_125 = arith.constant 0 : i32
      %dma_start3A_126 = arith.constant 0 : i32
      %dma_start3A_127 = tpu.memref_slice %arg2[%dma_start3A_125, %dma_start3A_126] : memref<10240x128xf32, #tpu.memory_space<hbm>> -> memref<10240x128xf32, #tpu.memory_space<hbm>>
      tpu.enqueue_indirect_dma source(%dma_start3A_127 : memref<10240x128xf32, #tpu.memory_space<hbm>>) target(%arg10 : memref<80x128xf32, #tpu.memory_space<vmem>>) offsets(%dma_start3A_124 : memref<80xi32, #tpu.memory_space<vmem>>) semaphore(%arg12 : memref<!tpu.dma_semaphore, #tpu.memory_space<semaphore_mem>>)
      %dma_wait3A_128 = arith.constant 0 : i32
      %dma_wait3A_129 = tpu.memref_slice %arg8[%add3A_89, %dma_wait3A_128] : memref<125x80xi32, #tpu.memory_space<vmem>> -> memref<1x80xi32, #tpu.memory_space<vmem>>
      %dma_wait3A_130 = tpu.memref_squeeze %dma_wait3A_129 : memref<1x80xi32, #tpu.memory_space<vmem>> -> memref<80xi32, #tpu.memory_space<vmem>>
      %dma_wait3A_131 = arith.constant 0 : i32
      %dma_wait3A_132 = arith.constant 0 : i32
      %dma_wait3A_133 = tpu.memref_slice %arg9[%dma_wait3A_131, %dma_wait3A_132] : memref<10240x128xf32, #tpu.memory_space<vmem_shared>> -> memref<10240x128xf32, #tpu.memory_space<vmem_shared>>
      tpu.wait_indirect_dma semaphore(%arg15 : memref<!tpu.dma_semaphore, #tpu.memory_space<semaphore_mem>>) src(%arg11 : memref<80x128xf32, #tpu.memory_space<vmem>>) dst(%dma_wait3A_133 : memref<10240x128xf32, #tpu.memory_space<vmem_shared>>)
      %add3A_134 = arith.constant 2 : i32
      %add3A_135 = arith.addi %add3A_89, %add3A_134 : i32
      %mul3A_136 = arith.constant 80 : i32
      %mul3A_137 = arith.muli %add3A_135, %mul3A_136 : i32
      %dma_start3A_138 = tpu.memref_slice %arg7[%mul3A_137] : memref<10000xi32, #tpu.memory_space<vmem>> -> memref<80xi32, #tpu.memory_space<vmem>>
      %dma_start3A_139 = arith.constant 0 : i32
      %dma_start3A_140 = arith.constant 0 : i32
      %dma_start3A_141 = tpu.memref_slice %arg2[%dma_start3A_139, %dma_start3A_140] : memref<10240x128xf32, #tpu.memory_space<hbm>> -> memref<10240x128xf32, #tpu.memory_space<hbm>>
      tpu.enqueue_indirect_dma source(%dma_start3A_141 : memref<10240x128xf32, #tpu.memory_space<hbm>>) target(%arg11 : memref<80x128xf32, #tpu.memory_space<vmem>>) offsets(%dma_start3A_138 : memref<80xi32, #tpu.memory_space<vmem>>) semaphore(%arg13 : memref<!tpu.dma_semaphore, #tpu.memory_space<semaphore_mem>>)
    }
    %scan3A_18 = arith.constant 61 : i32
    %dma_wait3A = arith.constant 9760 : i32
    %dma_wait3A_19 = tpu.memref_slice %arg7[%dma_wait3A] : memref<10000xi32, #tpu.memory_space<vmem>> -> memref<80xi32, #tpu.memory_space<vmem>>
    %dma_wait3A_20 = arith.constant 0 : i32
    %dma_wait3A_21 = arith.constant 0 : i32
    %dma_wait3A_22 = tpu.memref_slice %arg2[%dma_wait3A_20, %dma_wait3A_21] : memref<10240x128xf32, #tpu.memory_space<hbm>> -> memref<10240x128xf32, #tpu.memory_space<hbm>>
    tpu.wait_indirect_dma semaphore(%arg12 : memref<!tpu.dma_semaphore, #tpu.memory_space<semaphore_mem>>) src(%dma_wait3A_22 : memref<10240x128xf32, #tpu.memory_space<hbm>>) dst(%arg10 : memref<80x128xf32, #tpu.memory_space<vmem>>)
    %dma_start3A_23 = arith.constant 122 : i32
    %dma_start3A_24 = arith.constant 0 : i32
    %dma_start3A_25 = tpu.memref_slice %arg8[%dma_start3A_23, %dma_start3A_24] : memref<125x80xi32, #tpu.memory_space<vmem>> -> memref<1x80xi32, #tpu.memory_space<vmem>>
    %dma_start3A_26 = tpu.memref_squeeze %dma_start3A_25 : memref<1x80xi32, #tpu.memory_space<vmem>> -> memref<80xi32, #tpu.memory_space<vmem>>
    %dma_start3A_27 = arith.constant 0 : i32
    %dma_start3A_28 = arith.constant 0 : i32
    %dma_start3A_29 = tpu.memref_slice %arg9[%dma_start3A_27, %dma_start3A_28] : memref<10240x128xf32, #tpu.memory_space<vmem_shared>> -> memref<10240x128xf32, #tpu.memory_space<vmem_shared>>
    tpu.enqueue_indirect_dma source(%arg10 : memref<80x128xf32, #tpu.memory_space<vmem>>) target(%dma_start3A_29 : memref<10240x128xf32, #tpu.memory_space<vmem_shared>>) offsets(%dma_start3A_26 : memref<80xi32, #tpu.memory_space<vmem>>) semaphore(%arg14 : memref<!tpu.dma_semaphore, #tpu.memory_space<semaphore_mem>>) {add = true}
    %dma_wait3A_30 = arith.constant 9840 : i32
    %dma_wait3A_31 = tpu.memref_slice %arg7[%dma_wait3A_30] : memref<10000xi32, #tpu.memory_space<vmem>> -> memref<80xi32, #tpu.memory_space<vmem>>
    %dma_wait3A_32 = arith.constant 0 : i32
    %dma_wait3A_33 = arith.constant 0 : i32
    %dma_wait3A_34 = tpu.memref_slice %arg2[%dma_wait3A_32, %dma_wait3A_33] : memref<10240x128xf32, #tpu.memory_space<hbm>> -> memref<10240x128xf32, #tpu.memory_space<hbm>>
    tpu.wait_indirect_dma semaphore(%arg13 : memref<!tpu.dma_semaphore, #tpu.memory_space<semaphore_mem>>) src(%dma_wait3A_34 : memref<10240x128xf32, #tpu.memory_space<hbm>>) dst(%arg11 : memref<80x128xf32, #tpu.memory_space<vmem>>)
    %dma_start3A_35 = arith.constant 123 : i32
    %dma_start3A_36 = arith.constant 0 : i32
    %dma_start3A_37 = tpu.memref_slice %arg8[%dma_start3A_35, %dma_start3A_36] : memref<125x80xi32, #tpu.memory_space<vmem>> -> memref<1x80xi32, #tpu.memory_space<vmem>>
    %dma_start3A_38 = tpu.memref_squeeze %dma_start3A_37 : memref<1x80xi32, #tpu.memory_space<vmem>> -> memref<80xi32, #tpu.memory_space<vmem>>
    %dma_start3A_39 = arith.constant 0 : i32
    %dma_start3A_40 = arith.constant 0 : i32
    %dma_start3A_41 = tpu.memref_slice %arg9[%dma_start3A_39, %dma_start3A_40] : memref<10240x128xf32, #tpu.memory_space<vmem_shared>> -> memref<10240x128xf32, #tpu.memory_space<vmem_shared>>
    tpu.enqueue_indirect_dma source(%arg11 : memref<80x128xf32, #tpu.memory_space<vmem>>) target(%dma_start3A_41 : memref<10240x128xf32, #tpu.memory_space<vmem_shared>>) offsets(%dma_start3A_38 : memref<80xi32, #tpu.memory_space<vmem>>) semaphore(%arg15 : memref<!tpu.dma_semaphore, #tpu.memory_space<semaphore_mem>>) {add = true}
    %dma_wait3A_42 = arith.constant 122 : i32
    %dma_wait3A_43 = arith.constant 0 : i32
    %dma_wait3A_44 = tpu.memref_slice %arg8[%dma_wait3A_42, %dma_wait3A_43] : memref<125x80xi32, #tpu.memory_space<vmem>> -> memref<1x80xi32, #tpu.memory_space<vmem>>
    %dma_wait3A_45 = tpu.memref_squeeze %dma_wait3A_44 : memref<1x80xi32, #tpu.memory_space<vmem>> -> memref<80xi32, #tpu.memory_space<vmem>>
    %dma_wait3A_46 = arith.constant 0 : i32
    %dma_wait3A_47 = arith.constant 0 : i32
    %dma_wait3A_48 = tpu.memref_slice %arg9[%dma_wait3A_46, %dma_wait3A_47] : memref<10240x128xf32, #tpu.memory_space<vmem_shared>> -> memref<10240x128xf32, #tpu.memory_space<vmem_shared>>
    tpu.wait_indirect_dma semaphore(%arg14 : memref<!tpu.dma_semaphore, #tpu.memory_space<semaphore_mem>>) src(%arg10 : memref<80x128xf32, #tpu.memory_space<vmem>>) dst(%dma_wait3A_48 : memref<10240x128xf32, #tpu.memory_space<vmem_shared>>)
    %dma_start3A_49 = arith.constant 9920 : i32
    %dma_start3A_50 = tpu.memref_slice %arg7[%dma_start3A_49] : memref<10000xi32, #tpu.memory_space<vmem>> -> memref<80xi32, #tpu.memory_space<vmem>>
    %dma_start3A_51 = arith.constant 0 : i32
    %dma_start3A_52 = arith.constant 0 : i32
    %dma_start3A_53 = tpu.memref_slice %arg2[%dma_start3A_51, %dma_start3A_52] : memref<10240x128xf32, #tpu.memory_space<hbm>> -> memref<10240x128xf32, #tpu.memory_space<hbm>>
    tpu.enqueue_indirect_dma source(%dma_start3A_53 : memref<10240x128xf32, #tpu.memory_space<hbm>>) target(%arg10 : memref<80x128xf32, #tpu.memory_space<vmem>>) offsets(%dma_start3A_50 : memref<80xi32, #tpu.memory_space<vmem>>) semaphore(%arg12 : memref<!tpu.dma_semaphore, #tpu.memory_space<semaphore_mem>>)
    %dma_wait3A_54 = arith.constant 123 : i32
    %dma_wait3A_55 = arith.constant 0 : i32
    %dma_wait3A_56 = tpu.memref_slice %arg8[%dma_wait3A_54, %dma_wait3A_55] : memref<125x80xi32, #tpu.memory_space<vmem>> -> memref<1x80xi32, #tpu.memory_space<vmem>>
    %dma_wait3A_57 = tpu.memref_squeeze %dma_wait3A_56 : memref<1x80xi32, #tpu.memory_space<vmem>> -> memref<80xi32, #tpu.memory_space<vmem>>
    %dma_wait3A_58 = arith.constant 0 : i32
    %dma_wait3A_59 = arith.constant 0 : i32
    %dma_wait3A_60 = tpu.memref_slice %arg9[%dma_wait3A_58, %dma_wait3A_59] : memref<10240x128xf32, #tpu.memory_space<vmem_shared>> -> memref<10240x128xf32, #tpu.memory_space<vmem_shared>>
    tpu.wait_indirect_dma semaphore(%arg15 : memref<!tpu.dma_semaphore, #tpu.memory_space<semaphore_mem>>) src(%arg11 : memref<80x128xf32, #tpu.memory_space<vmem>>) dst(%dma_wait3A_60 : memref<10240x128xf32, #tpu.memory_space<vmem_shared>>)
    %dma_wait3A_61 = arith.constant 9920 : i32
    %dma_wait3A_62 = tpu.memref_slice %arg7[%dma_wait3A_61] : memref<10000xi32, #tpu.memory_space<vmem>> -> memref<80xi32, #tpu.memory_space<vmem>>
    %dma_wait3A_63 = arith.constant 0 : i32
    %dma_wait3A_64 = arith.constant 0 : i32
    %dma_wait3A_65 = tpu.memref_slice %arg2[%dma_wait3A_63, %dma_wait3A_64] : memref<10240x128xf32, #tpu.memory_space<hbm>> -> memref<10240x128xf32, #tpu.memory_space<hbm>>
    tpu.wait_indirect_dma semaphore(%arg12 : memref<!tpu.dma_semaphore, #tpu.memory_space<semaphore_mem>>) src(%dma_wait3A_65 : memref<10240x128xf32, #tpu.memory_space<hbm>>) dst(%arg10 : memref<80x128xf32, #tpu.memory_space<vmem>>)
    %dma_start3A_66 = arith.constant 124 : i32
    %dma_start3A_67 = arith.constant 0 : i32
    %dma_start3A_68 = tpu.memref_slice %arg8[%dma_start3A_66, %dma_start3A_67] : memref<125x80xi32, #tpu.memory_space<vmem>> -> memref<1x80xi32, #tpu.memory_space<vmem>>
    %dma_start3A_69 = tpu.memref_squeeze %dma_start3A_68 : memref<1x80xi32, #tpu.memory_space<vmem>> -> memref<80xi32, #tpu.memory_space<vmem>>
    %dma_start3A_70 = arith.constant 0 : i32
    %dma_start3A_71 = arith.constant 0 : i32
    %dma_start3A_72 = tpu.memref_slice %arg9[%dma_start3A_70, %dma_start3A_71] : memref<10240x128xf32, #tpu.memory_space<vmem_shared>> -> memref<10240x128xf32, #tpu.memory_space<vmem_shared>>
    tpu.enqueue_indirect_dma source(%arg10 : memref<80x128xf32, #tpu.memory_space<vmem>>) target(%dma_start3A_72 : memref<10240x128xf32, #tpu.memory_space<vmem_shared>>) offsets(%dma_start3A_69 : memref<80xi32, #tpu.memory_space<vmem>>) semaphore(%arg14 : memref<!tpu.dma_semaphore, #tpu.memory_space<semaphore_mem>>) {add = true}
    %dma_wait3A_73 = arith.constant 124 : i32
    %dma_wait3A_74 = arith.constant 0 : i32
    %dma_wait3A_75 = tpu.memref_slice %arg8[%dma_wait3A_73, %dma_wait3A_74] : memref<125x80xi32, #tpu.memory_space<vmem>> -> memref<1x80xi32, #tpu.memory_space<vmem>>
    %dma_wait3A_76 = tpu.memref_squeeze %dma_wait3A_75 : memref<1x80xi32, #tpu.memory_space<vmem>> -> memref<80xi32, #tpu.memory_space<vmem>>
    %dma_wait3A_77 = arith.constant 0 : i32
    %dma_wait3A_78 = arith.constant 0 : i32
    %dma_wait3A_79 = tpu.memref_slice %arg9[%dma_wait3A_77, %dma_wait3A_78] : memref<10240x128xf32, #tpu.memory_space<vmem_shared>> -> memref<10240x128xf32, #tpu.memory_space<vmem_shared>>
    tpu.wait_indirect_dma semaphore(%arg14 : memref<!tpu.dma_semaphore, #tpu.memory_space<semaphore_mem>>) src(%arg10 : memref<80x128xf32, #tpu.memory_space<vmem>>) dst(%dma_wait3A_79 : memref<10240x128xf32, #tpu.memory_space<vmem_shared>>)
    %barrier3A_80 = arith.constant 0 : index
    tpu.barrier barrier_id(%barrier3A_80)
    %mul3A_81 = arith.constant 640 : i32
    %mul3A_82 = arith.muli %arg1, %mul3A_81 : i32
    %mul3A_83 = arith.constant 640 : i32
    %mul3A_84 = arith.muli %arg1, %mul3A_83 : i32
    "tpu.region"() ({
      %run_scoped3A = tpu.sem_alloc : memref<!tpu.dma_semaphore, #tpu.memory_space<semaphore_mem>>
      %dma_start3A_85 = arith.constant 0 : i32
      %dma_start3A_86 = tpu.memref_slice %arg6[%arg0, %mul3A_84, %dma_start3A_85] : memref<2x10240x128xf32, #tpu.memory_space<hbm>> -> memref<1x640x128xf32, #tpu.memory_space<hbm>>
      %dma_start3A_87 = tpu.memref_squeeze %dma_start3A_86 : memref<1x640x128xf32, #tpu.memory_space<hbm>> -> memref<640x128xf32, #tpu.memory_space<hbm>>
      %dma_start3A_88 = arith.constant 0 : i32
      %dma_start3A_89 = tpu.memref_slice %arg9[%mul3A_82, %dma_start3A_88] : memref<10240x128xf32, #tpu.memory_space<vmem_shared>> -> memref<640x128xf32, #tpu.memory_space<vmem_shared>>
      tpu.enqueue_dma source(%dma_start3A_89 : memref<640x128xf32, #tpu.memory_space<vmem_shared>>) target(%dma_start3A_87 : memref<640x128xf32, #tpu.memory_space<hbm>>) target_semaphore(%run_scoped3A : memref<!tpu.dma_semaphore, #tpu.memory_space<semaphore_mem>>)
      %dma_wait3A_90 = arith.constant 0 : i32
      %dma_wait3A_91 = tpu.memref_slice %arg6[%arg0, %mul3A_84, %dma_wait3A_90] : memref<2x10240x128xf32, #tpu.memory_space<hbm>> -> memref<1x640x128xf32, #tpu.memory_space<hbm>>
      %dma_wait3A_92 = tpu.memref_squeeze %dma_wait3A_91 : memref<1x640x128xf32, #tpu.memory_space<hbm>> -> memref<640x128xf32, #tpu.memory_space<hbm>>
      %dma_wait3A_93 = arith.constant 0 : i32
      %dma_wait3A_94 = tpu.memref_slice %arg9[%mul3A_82, %dma_wait3A_93] : memref<10240x128xf32, #tpu.memory_space<vmem_shared>> -> memref<640x128xf32, #tpu.memory_space<vmem_shared>>
      tpu.wait_dma2 semaphore(%run_scoped3A : memref<!tpu.dma_semaphore, #tpu.memory_space<semaphore_mem>>) src(%dma_wait3A_94 : memref<640x128xf32, #tpu.memory_space<vmem_shared>>) dst(%dma_wait3A_92 : memref<640x128xf32, #tpu.memory_space<hbm>>)
      tpu.yield
    }) : () -> ()
    return
  }
}

#map = affine_map<(d0, d1) -> (0, 0)>
#map1 = affine_map<(d0, d1) -> (0, 0, 0)>
module attributes {stable_mosaic.version = 14 : i64} {
  func.func @_sc_agg(%arg0: i32, %arg1: i32, %arg2: memref<10240x128xf32, #tpu.memory_space<hbm>>, %arg3: memref<32x10000xi32, #tpu.memory_space<hbm>>, %arg4: memref<32x125x80xi32, #tpu.memory_space<hbm>>, %arg5: memref<10240x128xf32, #tpu.memory_space<hbm>>, %arg6: memref<2x10240x128xf32, #tpu.memory_space<hbm>>, %arg7: memref<10000xi32, #tpu.memory_space<vmem>>, %arg8: memref<125x80xi32, #tpu.memory_space<vmem>>, %arg9: memref<10240x128xf32, #tpu.memory_space<vmem_shared>>, %arg10: memref<80x128xf32, #tpu.memory_space<vmem>>, %arg11: memref<80x128xf32, #tpu.memory_space<vmem>>, %arg12: memref<!tpu.dma_semaphore, #tpu.memory_space<semaphore_mem>>, %arg13: memref<!tpu.dma_semaphore, #tpu.memory_space<semaphore_mem>>, %arg14: memref<!tpu.dma_semaphore, #tpu.memory_space<semaphore_mem>>, %arg15: memref<!tpu.dma_semaphore, #tpu.memory_space<semaphore_mem>>) attributes {dimension_semantics = [#tpu.dimension_semantics<core_parallel>, #tpu.dimension_semantics<subcore_parallel>], iteration_bounds = array<i64: 2, 16>, scalar_prefetch = 0 : i64, scratch_operands = 9 : i64, tpu.core_type = #tpu.core_type<sc_vector_subcore>, window_params = [{transform_indices = #map}, {transform_indices = #map}, {transform_indices = #map1}, {transform_indices = #map}, {transform_indices = #map1}]} {
    %mul3A = arith.constant 16 : i32
    %mul3A_0 = arith.muli %arg0, %mul3A : i32
    %add3A = arith.addi %mul3A_0, %arg1 : i32
    %mul3A_1 = arith.constant 640 : i32
    %mul3A_2 = arith.muli %arg1, %mul3A_1 : i32
    %mul3A_3 = arith.constant 640 : i32
    %mul3A_4 = arith.muli %arg1, %mul3A_3 : i32
    "tpu.region"() ({
      %run_scoped3A = tpu.sem_alloc : memref<!tpu.dma_semaphore, #tpu.memory_space<semaphore_mem>>
      %dma_start3A_85 = arith.constant 0 : i32
      %dma_start3A_86 = tpu.memref_slice %arg9[%mul3A_4, %dma_start3A_85] : memref<10240x128xf32, #tpu.memory_space<vmem_shared>> -> memref<640x128xf32, #tpu.memory_space<vmem_shared>>
      %dma_start3A_87 = arith.constant 0 : i32
      %dma_start3A_88 = tpu.memref_slice %arg5[%mul3A_2, %dma_start3A_87] : memref<10240x128xf32, #tpu.memory_space<hbm>> -> memref<640x128xf32, #tpu.memory_space<hbm>>
      tpu.enqueue_dma source(%dma_start3A_88 : memref<640x128xf32, #tpu.memory_space<hbm>>) target(%dma_start3A_86 : memref<640x128xf32, #tpu.memory_space<vmem_shared>>) target_semaphore(%run_scoped3A : memref<!tpu.dma_semaphore, #tpu.memory_space<semaphore_mem>>)
      %dma_wait3A_89 = arith.constant 0 : i32
      %dma_wait3A_90 = tpu.memref_slice %arg9[%mul3A_4, %dma_wait3A_89] : memref<10240x128xf32, #tpu.memory_space<vmem_shared>> -> memref<640x128xf32, #tpu.memory_space<vmem_shared>>
      %dma_wait3A_91 = arith.constant 0 : i32
      %dma_wait3A_92 = tpu.memref_slice %arg5[%mul3A_2, %dma_wait3A_91] : memref<10240x128xf32, #tpu.memory_space<hbm>> -> memref<640x128xf32, #tpu.memory_space<hbm>>
      tpu.wait_dma2 semaphore(%run_scoped3A : memref<!tpu.dma_semaphore, #tpu.memory_space<semaphore_mem>>) src(%dma_wait3A_92 : memref<640x128xf32, #tpu.memory_space<hbm>>) dst(%dma_wait3A_90 : memref<640x128xf32, #tpu.memory_space<vmem_shared>>)
      tpu.yield
    }) : () -> ()
    "tpu.region"() ({
      %run_scoped3A = tpu.sem_alloc : memref<!tpu.dma_semaphore, #tpu.memory_space<semaphore_mem>>
      %dma_start3A_85 = arith.constant 0 : i32
      %dma_start3A_86 = tpu.memref_slice %arg3[%add3A, %dma_start3A_85] : memref<32x10000xi32, #tpu.memory_space<hbm>> -> memref<1x10000xi32, #tpu.memory_space<hbm>>
      %dma_start3A_87 = tpu.memref_squeeze %dma_start3A_86 : memref<1x10000xi32, #tpu.memory_space<hbm>> -> memref<10000xi32, #tpu.memory_space<hbm>>
      %dma_start3A_88 = arith.constant 0 : i32
      %dma_start3A_89 = tpu.memref_slice %arg3[%add3A, %dma_start3A_88] : memref<32x10000xi32, #tpu.memory_space<hbm>> -> memref<1x10000xi32, #tpu.memory_space<hbm>>
      %dma_start3A_90 = tpu.memref_squeeze %dma_start3A_89 : memref<1x10000xi32, #tpu.memory_space<hbm>> -> memref<10000xi32, #tpu.memory_space<hbm>>
      tpu.enqueue_dma source(%dma_start3A_90 : memref<10000xi32, #tpu.memory_space<hbm>>) target(%arg7 : memref<10000xi32, #tpu.memory_space<vmem>>) target_semaphore(%run_scoped3A : memref<!tpu.dma_semaphore, #tpu.memory_space<semaphore_mem>>)
      %dma_wait3A_91 = arith.constant 0 : i32
      %dma_wait3A_92 = tpu.memref_slice %arg3[%add3A, %dma_wait3A_91] : memref<32x10000xi32, #tpu.memory_space<hbm>> -> memref<1x10000xi32, #tpu.memory_space<hbm>>
      %dma_wait3A_93 = tpu.memref_squeeze %dma_wait3A_92 : memref<1x10000xi32, #tpu.memory_space<hbm>> -> memref<10000xi32, #tpu.memory_space<hbm>>
      %dma_wait3A_94 = arith.constant 0 : i32
      %dma_wait3A_95 = tpu.memref_slice %arg3[%add3A, %dma_wait3A_94] : memref<32x10000xi32, #tpu.memory_space<hbm>> -> memref<1x10000xi32, #tpu.memory_space<hbm>>
      %dma_wait3A_96 = tpu.memref_squeeze %dma_wait3A_95 : memref<1x10000xi32, #tpu.memory_space<hbm>> -> memref<10000xi32, #tpu.memory_space<hbm>>
      tpu.wait_dma2 semaphore(%run_scoped3A : memref<!tpu.dma_semaphore, #tpu.memory_space<semaphore_mem>>) src(%dma_wait3A_96 : memref<10000xi32, #tpu.memory_space<hbm>>) dst(%arg7 : memref<10000xi32, #tpu.memory_space<vmem>>)
      tpu.yield
    }) : () -> ()
    "tpu.region"() ({
      %run_scoped3A = tpu.sem_alloc : memref<!tpu.dma_semaphore, #tpu.memory_space<semaphore_mem>>
      %dma_start3A_85 = arith.constant 0 : i32
      %dma_start3A_86 = arith.constant 0 : i32
      %dma_start3A_87 = tpu.memref_slice %arg4[%add3A, %dma_start3A_85, %dma_start3A_86] : memref<32x125x80xi32, #tpu.memory_space<hbm>> -> memref<1x125x80xi32, #tpu.memory_space<hbm>>
      %dma_start3A_88 = tpu.memref_squeeze %dma_start3A_87 : memref<1x125x80xi32, #tpu.memory_space<hbm>> -> memref<125x80xi32, #tpu.memory_space<hbm>>
      %dma_start3A_89 = arith.constant 0 : i32
      %dma_start3A_90 = arith.constant 0 : i32
      %dma_start3A_91 = tpu.memref_slice %arg4[%add3A, %dma_start3A_89, %dma_start3A_90] : memref<32x125x80xi32, #tpu.memory_space<hbm>> -> memref<1x125x80xi32, #tpu.memory_space<hbm>>
      %dma_start3A_92 = tpu.memref_squeeze %dma_start3A_91 : memref<1x125x80xi32, #tpu.memory_space<hbm>> -> memref<125x80xi32, #tpu.memory_space<hbm>>
      tpu.enqueue_dma source(%dma_start3A_92 : memref<125x80xi32, #tpu.memory_space<hbm>>) target(%arg8 : memref<125x80xi32, #tpu.memory_space<vmem>>) target_semaphore(%run_scoped3A : memref<!tpu.dma_semaphore, #tpu.memory_space<semaphore_mem>>)
      %dma_wait3A_93 = arith.constant 0 : i32
      %dma_wait3A_94 = arith.constant 0 : i32
      %dma_wait3A_95 = tpu.memref_slice %arg4[%add3A, %dma_wait3A_93, %dma_wait3A_94] : memref<32x125x80xi32, #tpu.memory_space<hbm>> -> memref<1x125x80xi32, #tpu.memory_space<hbm>>
      %dma_wait3A_96 = tpu.memref_squeeze %dma_wait3A_95 : memref<1x125x80xi32, #tpu.memory_space<hbm>> -> memref<125x80xi32, #tpu.memory_space<hbm>>
      %dma_wait3A_97 = arith.constant 0 : i32
      %dma_wait3A_98 = arith.constant 0 : i32
      %dma_wait3A_99 = tpu.memref_slice %arg4[%add3A, %dma_wait3A_97, %dma_wait3A_98] : memref<32x125x80xi32, #tpu.memory_space<hbm>> -> memref<1x125x80xi32, #tpu.memory_space<hbm>>
      %dma_wait3A_100 = tpu.memref_squeeze %dma_wait3A_99 : memref<1x125x80xi32, #tpu.memory_space<hbm>> -> memref<125x80xi32, #tpu.memory_space<hbm>>
      tpu.wait_dma2 semaphore(%run_scoped3A : memref<!tpu.dma_semaphore, #tpu.memory_space<semaphore_mem>>) src(%dma_wait3A_100 : memref<125x80xi32, #tpu.memory_space<hbm>>) dst(%arg8 : memref<125x80xi32, #tpu.memory_space<vmem>>)
      tpu.yield
    }) : () -> ()
    %barrier3A = arith.constant 0 : index
    tpu.barrier barrier_id(%barrier3A)
    %dma_start3A = arith.constant 0 : i32
    %dma_start3A_5 = tpu.memref_slice %arg7[%dma_start3A] : memref<10000xi32, #tpu.memory_space<vmem>> -> memref<80xi32, #tpu.memory_space<vmem>>
    %dma_start3A_6 = arith.constant 0 : i32
    %dma_start3A_7 = arith.constant 0 : i32
    %dma_start3A_8 = tpu.memref_slice %arg2[%dma_start3A_6, %dma_start3A_7] : memref<10240x128xf32, #tpu.memory_space<hbm>> -> memref<10240x128xf32, #tpu.memory_space<hbm>>
    tpu.enqueue_indirect_dma source(%dma_start3A_8 : memref<10240x128xf32, #tpu.memory_space<hbm>>) target(%arg10 : memref<80x128xf32, #tpu.memory_space<vmem>>) offsets(%dma_start3A_5 : memref<80xi32, #tpu.memory_space<vmem>>) semaphore(%arg12 : memref<!tpu.dma_semaphore, #tpu.memory_space<semaphore_mem>>)
    %dma_start3A_9 = arith.constant 80 : i32
    %dma_start3A_10 = tpu.memref_slice %arg7[%dma_start3A_9] : memref<10000xi32, #tpu.memory_space<vmem>> -> memref<80xi32, #tpu.memory_space<vmem>>
    %dma_start3A_11 = arith.constant 0 : i32
    %dma_start3A_12 = arith.constant 0 : i32
    %dma_start3A_13 = tpu.memref_slice %arg2[%dma_start3A_11, %dma_start3A_12] : memref<10240x128xf32, #tpu.memory_space<hbm>> -> memref<10240x128xf32, #tpu.memory_space<hbm>>
    tpu.enqueue_indirect_dma source(%dma_start3A_13 : memref<10240x128xf32, #tpu.memory_space<hbm>>) target(%arg11 : memref<80x128xf32, #tpu.memory_space<vmem>>) offsets(%dma_start3A_10 : memref<80xi32, #tpu.memory_space<vmem>>) semaphore(%arg13 : memref<!tpu.dma_semaphore, #tpu.memory_space<semaphore_mem>>)
    %scan3A = arith.constant 0 : i32
    %scan3A_14 = arith.constant 0 : i32
    %scan3A_15 = arith.constant 61 : i32
    %scan3A_16 = arith.addi %scan3A_14, %scan3A_15 : i32
    %scan3A_17 = arith.constant 1 : i32
    scf.for %scan3A_85 = %scan3A_14 to %scan3A_16 step %scan3A_17  : i32 {
      %mul3A_86 = arith.constant 2 : i32
      %mul3A_87 = arith.muli %mul3A_86, %scan3A_85 : i32
      %add3A_88 = arith.constant 1 : i32
      %add3A_89 = arith.addi %mul3A_87, %add3A_88 : i32
      %mul3A_90 = arith.constant 80 : i32
      %mul3A_91 = arith.muli %mul3A_87, %mul3A_90 : i32
      %dma_wait3A_92 = tpu.memref_slice %arg7[%mul3A_91] : memref<10000xi32, #tpu.memory_space<vmem>> -> memref<80xi32, #tpu.memory_space<vmem>>
      %dma_wait3A_93 = arith.constant 0 : i32
      %dma_wait3A_94 = arith.constant 0 : i32
      %dma_wait3A_95 = tpu.memref_slice %arg2[%dma_wait3A_93, %dma_wait3A_94] : memref<10240x128xf32, #tpu.memory_space<hbm>> -> memref<10240x128xf32, #tpu.memory_space<hbm>>
      tpu.wait_indirect_dma semaphore(%arg12 : memref<!tpu.dma_semaphore, #tpu.memory_space<semaphore_mem>>) src(%dma_wait3A_95 : memref<10240x128xf32, #tpu.memory_space<hbm>>) dst(%arg10 : memref<80x128xf32, #tpu.memory_space<vmem>>)
      %dma_start3A_96 = arith.constant 0 : i32
      %dma_start3A_97 = tpu.memref_slice %arg8[%mul3A_87, %dma_start3A_96] : memref<125x80xi32, #tpu.memory_space<vmem>> -> memref<1x80xi32, #tpu.memory_space<vmem>>
      %dma_start3A_98 = tpu.memref_squeeze %dma_start3A_97 : memref<1x80xi32, #tpu.memory_space<vmem>> -> memref<80xi32, #tpu.memory_space<vmem>>
      %dma_start3A_99 = arith.constant 0 : i32
      %dma_start3A_100 = arith.constant 0 : i32
      %dma_start3A_101 = tpu.memref_slice %arg9[%dma_start3A_99, %dma_start3A_100] : memref<10240x128xf32, #tpu.memory_space<vmem_shared>> -> memref<10240x128xf32, #tpu.memory_space<vmem_shared>>
      tpu.enqueue_indirect_dma source(%arg10 : memref<80x128xf32, #tpu.memory_space<vmem>>) target(%dma_start3A_101 : memref<10240x128xf32, #tpu.memory_space<vmem_shared>>) offsets(%dma_start3A_98 : memref<80xi32, #tpu.memory_space<vmem>>) semaphore(%arg14 : memref<!tpu.dma_semaphore, #tpu.memory_space<semaphore_mem>>) {add = true}
      %mul3A_102 = arith.constant 80 : i32
      %mul3A_103 = arith.muli %add3A_89, %mul3A_102 : i32
      %dma_wait3A_104 = tpu.memref_slice %arg7[%mul3A_103] : memref<10000xi32, #tpu.memory_space<vmem>> -> memref<80xi32, #tpu.memory_space<vmem>>
      %dma_wait3A_105 = arith.constant 0 : i32
      %dma_wait3A_106 = arith.constant 0 : i32
      %dma_wait3A_107 = tpu.memref_slice %arg2[%dma_wait3A_105, %dma_wait3A_106] : memref<10240x128xf32, #tpu.memory_space<hbm>> -> memref<10240x128xf32, #tpu.memory_space<hbm>>
      tpu.wait_indirect_dma semaphore(%arg13 : memref<!tpu.dma_semaphore, #tpu.memory_space<semaphore_mem>>) src(%dma_wait3A_107 : memref<10240x128xf32, #tpu.memory_space<hbm>>) dst(%arg11 : memref<80x128xf32, #tpu.memory_space<vmem>>)
      %dma_start3A_108 = arith.constant 0 : i32
      %dma_start3A_109 = tpu.memref_slice %arg8[%add3A_89, %dma_start3A_108] : memref<125x80xi32, #tpu.memory_space<vmem>> -> memref<1x80xi32, #tpu.memory_space<vmem>>
      %dma_start3A_110 = tpu.memref_squeeze %dma_start3A_109 : memref<1x80xi32, #tpu.memory_space<vmem>> -> memref<80xi32, #tpu.memory_space<vmem>>
      %dma_start3A_111 = arith.constant 0 : i32
      %dma_start3A_112 = arith.constant 0 : i32
      %dma_start3A_113 = tpu.memref_slice %arg9[%dma_start3A_111, %dma_start3A_112] : memref<10240x128xf32, #tpu.memory_space<vmem_shared>> -> memref<10240x128xf32, #tpu.memory_space<vmem_shared>>
      tpu.enqueue_indirect_dma source(%arg11 : memref<80x128xf32, #tpu.memory_space<vmem>>) target(%dma_start3A_113 : memref<10240x128xf32, #tpu.memory_space<vmem_shared>>) offsets(%dma_start3A_110 : memref<80xi32, #tpu.memory_space<vmem>>) semaphore(%arg15 : memref<!tpu.dma_semaphore, #tpu.memory_space<semaphore_mem>>) {add = true}
      %dma_wait3A_114 = arith.constant 0 : i32
      %dma_wait3A_115 = tpu.memref_slice %arg8[%mul3A_87, %dma_wait3A_114] : memref<125x80xi32, #tpu.memory_space<vmem>> -> memref<1x80xi32, #tpu.memory_space<vmem>>
      %dma_wait3A_116 = tpu.memref_squeeze %dma_wait3A_115 : memref<1x80xi32, #tpu.memory_space<vmem>> -> memref<80xi32, #tpu.memory_space<vmem>>
      %dma_wait3A_117 = arith.constant 0 : i32
      %dma_wait3A_118 = arith.constant 0 : i32
      %dma_wait3A_119 = tpu.memref_slice %arg9[%dma_wait3A_117, %dma_wait3A_118] : memref<10240x128xf32, #tpu.memory_space<vmem_shared>> -> memref<10240x128xf32, #tpu.memory_space<vmem_shared>>
      tpu.wait_indirect_dma semaphore(%arg14 : memref<!tpu.dma_semaphore, #tpu.memory_space<semaphore_mem>>) src(%arg10 : memref<80x128xf32, #tpu.memory_space<vmem>>) dst(%dma_wait3A_119 : memref<10240x128xf32, #tpu.memory_space<vmem_shared>>)
      %add3A_120 = arith.constant 2 : i32
      %add3A_121 = arith.addi %mul3A_87, %add3A_120 : i32
      %mul3A_122 = arith.constant 80 : i32
      %mul3A_123 = arith.muli %add3A_121, %mul3A_122 : i32
      %dma_start3A_124 = tpu.memref_slice %arg7[%mul3A_123] : memref<10000xi32, #tpu.memory_space<vmem>> -> memref<80xi32, #tpu.memory_space<vmem>>
      %dma_start3A_125 = arith.constant 0 : i32
      %dma_start3A_126 = arith.constant 0 : i32
      %dma_start3A_127 = tpu.memref_slice %arg2[%dma_start3A_125, %dma_start3A_126] : memref<10240x128xf32, #tpu.memory_space<hbm>> -> memref<10240x128xf32, #tpu.memory_space<hbm>>
      tpu.enqueue_indirect_dma source(%dma_start3A_127 : memref<10240x128xf32, #tpu.memory_space<hbm>>) target(%arg10 : memref<80x128xf32, #tpu.memory_space<vmem>>) offsets(%dma_start3A_124 : memref<80xi32, #tpu.memory_space<vmem>>) semaphore(%arg12 : memref<!tpu.dma_semaphore, #tpu.memory_space<semaphore_mem>>)
      %dma_wait3A_128 = arith.constant 0 : i32
      %dma_wait3A_129 = tpu.memref_slice %arg8[%add3A_89, %dma_wait3A_128] : memref<125x80xi32, #tpu.memory_space<vmem>> -> memref<1x80xi32, #tpu.memory_space<vmem>>
      %dma_wait3A_130 = tpu.memref_squeeze %dma_wait3A_129 : memref<1x80xi32, #tpu.memory_space<vmem>> -> memref<80xi32, #tpu.memory_space<vmem>>
      %dma_wait3A_131 = arith.constant 0 : i32
      %dma_wait3A_132 = arith.constant 0 : i32
      %dma_wait3A_133 = tpu.memref_slice %arg9[%dma_wait3A_131, %dma_wait3A_132] : memref<10240x128xf32, #tpu.memory_space<vmem_shared>> -> memref<10240x128xf32, #tpu.memory_space<vmem_shared>>
      tpu.wait_indirect_dma semaphore(%arg15 : memref<!tpu.dma_semaphore, #tpu.memory_space<semaphore_mem>>) src(%arg11 : memref<80x128xf32, #tpu.memory_space<vmem>>) dst(%dma_wait3A_133 : memref<10240x128xf32, #tpu.memory_space<vmem_shared>>)
      %add3A_134 = arith.constant 2 : i32
      %add3A_135 = arith.addi %add3A_89, %add3A_134 : i32
      %mul3A_136 = arith.constant 80 : i32
      %mul3A_137 = arith.muli %add3A_135, %mul3A_136 : i32
      %dma_start3A_138 = tpu.memref_slice %arg7[%mul3A_137] : memref<10000xi32, #tpu.memory_space<vmem>> -> memref<80xi32, #tpu.memory_space<vmem>>
      %dma_start3A_139 = arith.constant 0 : i32
      %dma_start3A_140 = arith.constant 0 : i32
      %dma_start3A_141 = tpu.memref_slice %arg2[%dma_start3A_139, %dma_start3A_140] : memref<10240x128xf32, #tpu.memory_space<hbm>> -> memref<10240x128xf32, #tpu.memory_space<hbm>>
      tpu.enqueue_indirect_dma source(%dma_start3A_141 : memref<10240x128xf32, #tpu.memory_space<hbm>>) target(%arg11 : memref<80x128xf32, #tpu.memory_space<vmem>>) offsets(%dma_start3A_138 : memref<80xi32, #tpu.memory_space<vmem>>) semaphore(%arg13 : memref<!tpu.dma_semaphore, #tpu.memory_space<semaphore_mem>>)
    }
    %scan3A_18 = arith.constant 61 : i32
    %dma_wait3A = arith.constant 9760 : i32
    %dma_wait3A_19 = tpu.memref_slice %arg7[%dma_wait3A] : memref<10000xi32, #tpu.memory_space<vmem>> -> memref<80xi32, #tpu.memory_space<vmem>>
    %dma_wait3A_20 = arith.constant 0 : i32
    %dma_wait3A_21 = arith.constant 0 : i32
    %dma_wait3A_22 = tpu.memref_slice %arg2[%dma_wait3A_20, %dma_wait3A_21] : memref<10240x128xf32, #tpu.memory_space<hbm>> -> memref<10240x128xf32, #tpu.memory_space<hbm>>
    tpu.wait_indirect_dma semaphore(%arg12 : memref<!tpu.dma_semaphore, #tpu.memory_space<semaphore_mem>>) src(%dma_wait3A_22 : memref<10240x128xf32, #tpu.memory_space<hbm>>) dst(%arg10 : memref<80x128xf32, #tpu.memory_space<vmem>>)
    %dma_start3A_23 = arith.constant 122 : i32
    %dma_start3A_24 = arith.constant 0 : i32
    %dma_start3A_25 = tpu.memref_slice %arg8[%dma_start3A_23, %dma_start3A_24] : memref<125x80xi32, #tpu.memory_space<vmem>> -> memref<1x80xi32, #tpu.memory_space<vmem>>
    %dma_start3A_26 = tpu.memref_squeeze %dma_start3A_25 : memref<1x80xi32, #tpu.memory_space<vmem>> -> memref<80xi32, #tpu.memory_space<vmem>>
    %dma_start3A_27 = arith.constant 0 : i32
    %dma_start3A_28 = arith.constant 0 : i32
    %dma_start3A_29 = tpu.memref_slice %arg9[%dma_start3A_27, %dma_start3A_28] : memref<10240x128xf32, #tpu.memory_space<vmem_shared>> -> memref<10240x128xf32, #tpu.memory_space<vmem_shared>>
    tpu.enqueue_indirect_dma source(%arg10 : memref<80x128xf32, #tpu.memory_space<vmem>>) target(%dma_start3A_29 : memref<10240x128xf32, #tpu.memory_space<vmem_shared>>) offsets(%dma_start3A_26 : memref<80xi32, #tpu.memory_space<vmem>>) semaphore(%arg14 : memref<!tpu.dma_semaphore, #tpu.memory_space<semaphore_mem>>) {add = true}
    %dma_wait3A_30 = arith.constant 9840 : i32
    %dma_wait3A_31 = tpu.memref_slice %arg7[%dma_wait3A_30] : memref<10000xi32, #tpu.memory_space<vmem>> -> memref<80xi32, #tpu.memory_space<vmem>>
    %dma_wait3A_32 = arith.constant 0 : i32
    %dma_wait3A_33 = arith.constant 0 : i32
    %dma_wait3A_34 = tpu.memref_slice %arg2[%dma_wait3A_32, %dma_wait3A_33] : memref<10240x128xf32, #tpu.memory_space<hbm>> -> memref<10240x128xf32, #tpu.memory_space<hbm>>
    tpu.wait_indirect_dma semaphore(%arg13 : memref<!tpu.dma_semaphore, #tpu.memory_space<semaphore_mem>>) src(%dma_wait3A_34 : memref<10240x128xf32, #tpu.memory_space<hbm>>) dst(%arg11 : memref<80x128xf32, #tpu.memory_space<vmem>>)
    %dma_start3A_35 = arith.constant 123 : i32
    %dma_start3A_36 = arith.constant 0 : i32
    %dma_start3A_37 = tpu.memref_slice %arg8[%dma_start3A_35, %dma_start3A_36] : memref<125x80xi32, #tpu.memory_space<vmem>> -> memref<1x80xi32, #tpu.memory_space<vmem>>
    %dma_start3A_38 = tpu.memref_squeeze %dma_start3A_37 : memref<1x80xi32, #tpu.memory_space<vmem>> -> memref<80xi32, #tpu.memory_space<vmem>>
    %dma_start3A_39 = arith.constant 0 : i32
    %dma_start3A_40 = arith.constant 0 : i32
    %dma_start3A_41 = tpu.memref_slice %arg9[%dma_start3A_39, %dma_start3A_40] : memref<10240x128xf32, #tpu.memory_space<vmem_shared>> -> memref<10240x128xf32, #tpu.memory_space<vmem_shared>>
    tpu.enqueue_indirect_dma source(%arg11 : memref<80x128xf32, #tpu.memory_space<vmem>>) target(%dma_start3A_41 : memref<10240x128xf32, #tpu.memory_space<vmem_shared>>) offsets(%dma_start3A_38 : memref<80xi32, #tpu.memory_space<vmem>>) semaphore(%arg15 : memref<!tpu.dma_semaphore, #tpu.memory_space<semaphore_mem>>) {add = true}
    %dma_wait3A_42 = arith.constant 122 : i32
    %dma_wait3A_43 = arith.constant 0 : i32
    %dma_wait3A_44 = tpu.memref_slice %arg8[%dma_wait3A_42, %dma_wait3A_43] : memref<125x80xi32, #tpu.memory_space<vmem>> -> memref<1x80xi32, #tpu.memory_space<vmem>>
    %dma_wait3A_45 = tpu.memref_squeeze %dma_wait3A_44 : memref<1x80xi32, #tpu.memory_space<vmem>> -> memref<80xi32, #tpu.memory_space<vmem>>
    %dma_wait3A_46 = arith.constant 0 : i32
    %dma_wait3A_47 = arith.constant 0 : i32
    %dma_wait3A_48 = tpu.memref_slice %arg9[%dma_wait3A_46, %dma_wait3A_47] : memref<10240x128xf32, #tpu.memory_space<vmem_shared>> -> memref<10240x128xf32, #tpu.memory_space<vmem_shared>>
    tpu.wait_indirect_dma semaphore(%arg14 : memref<!tpu.dma_semaphore, #tpu.memory_space<semaphore_mem>>) src(%arg10 : memref<80x128xf32, #tpu.memory_space<vmem>>) dst(%dma_wait3A_48 : memref<10240x128xf32, #tpu.memory_space<vmem_shared>>)
    %dma_start3A_49 = arith.constant 9920 : i32
    %dma_start3A_50 = tpu.memref_slice %arg7[%dma_start3A_49] : memref<10000xi32, #tpu.memory_space<vmem>> -> memref<80xi32, #tpu.memory_space<vmem>>
    %dma_start3A_51 = arith.constant 0 : i32
    %dma_start3A_52 = arith.constant 0 : i32
    %dma_start3A_53 = tpu.memref_slice %arg2[%dma_start3A_51, %dma_start3A_52] : memref<10240x128xf32, #tpu.memory_space<hbm>> -> memref<10240x128xf32, #tpu.memory_space<hbm>>
    tpu.enqueue_indirect_dma source(%dma_start3A_53 : memref<10240x128xf32, #tpu.memory_space<hbm>>) target(%arg10 : memref<80x128xf32, #tpu.memory_space<vmem>>) offsets(%dma_start3A_50 : memref<80xi32, #tpu.memory_space<vmem>>) semaphore(%arg12 : memref<!tpu.dma_semaphore, #tpu.memory_space<semaphore_mem>>)
    %dma_wait3A_54 = arith.constant 123 : i32
    %dma_wait3A_55 = arith.constant 0 : i32
    %dma_wait3A_56 = tpu.memref_slice %arg8[%dma_wait3A_54, %dma_wait3A_55] : memref<125x80xi32, #tpu.memory_space<vmem>> -> memref<1x80xi32, #tpu.memory_space<vmem>>
    %dma_wait3A_57 = tpu.memref_squeeze %dma_wait3A_56 : memref<1x80xi32, #tpu.memory_space<vmem>> -> memref<80xi32, #tpu.memory_space<vmem>>
    %dma_wait3A_58 = arith.constant 0 : i32
    %dma_wait3A_59 = arith.constant 0 : i32
    %dma_wait3A_60 = tpu.memref_slice %arg9[%dma_wait3A_58, %dma_wait3A_59] : memref<10240x128xf32, #tpu.memory_space<vmem_shared>> -> memref<10240x128xf32, #tpu.memory_space<vmem_shared>>
    tpu.wait_indirect_dma semaphore(%arg15 : memref<!tpu.dma_semaphore, #tpu.memory_space<semaphore_mem>>) src(%arg11 : memref<80x128xf32, #tpu.memory_space<vmem>>) dst(%dma_wait3A_60 : memref<10240x128xf32, #tpu.memory_space<vmem_shared>>)
    %dma_wait3A_61 = arith.constant 9920 : i32
    %dma_wait3A_62 = tpu.memref_slice %arg7[%dma_wait3A_61] : memref<10000xi32, #tpu.memory_space<vmem>> -> memref<80xi32, #tpu.memory_space<vmem>>
    %dma_wait3A_63 = arith.constant 0 : i32
    %dma_wait3A_64 = arith.constant 0 : i32
    %dma_wait3A_65 = tpu.memref_slice %arg2[%dma_wait3A_63, %dma_wait3A_64] : memref<10240x128xf32, #tpu.memory_space<hbm>> -> memref<10240x128xf32, #tpu.memory_space<hbm>>
    tpu.wait_indirect_dma semaphore(%arg12 : memref<!tpu.dma_semaphore, #tpu.memory_space<semaphore_mem>>) src(%dma_wait3A_65 : memref<10240x128xf32, #tpu.memory_space<hbm>>) dst(%arg10 : memref<80x128xf32, #tpu.memory_space<vmem>>)
    %dma_start3A_66 = arith.constant 124 : i32
    %dma_start3A_67 = arith.constant 0 : i32
    %dma_start3A_68 = tpu.memref_slice %arg8[%dma_start3A_66, %dma_start3A_67] : memref<125x80xi32, #tpu.memory_space<vmem>> -> memref<1x80xi32, #tpu.memory_space<vmem>>
    %dma_start3A_69 = tpu.memref_squeeze %dma_start3A_68 : memref<1x80xi32, #tpu.memory_space<vmem>> -> memref<80xi32, #tpu.memory_space<vmem>>
    %dma_start3A_70 = arith.constant 0 : i32
    %dma_start3A_71 = arith.constant 0 : i32
    %dma_start3A_72 = tpu.memref_slice %arg9[%dma_start3A_70, %dma_start3A_71] : memref<10240x128xf32, #tpu.memory_space<vmem_shared>> -> memref<10240x128xf32, #tpu.memory_space<vmem_shared>>
    tpu.enqueue_indirect_dma source(%arg10 : memref<80x128xf32, #tpu.memory_space<vmem>>) target(%dma_start3A_72 : memref<10240x128xf32, #tpu.memory_space<vmem_shared>>) offsets(%dma_start3A_69 : memref<80xi32, #tpu.memory_space<vmem>>) semaphore(%arg14 : memref<!tpu.dma_semaphore, #tpu.memory_space<semaphore_mem>>) {add = true}
    %dma_wait3A_73 = arith.constant 124 : i32
    %dma_wait3A_74 = arith.constant 0 : i32
    %dma_wait3A_75 = tpu.memref_slice %arg8[%dma_wait3A_73, %dma_wait3A_74] : memref<125x80xi32, #tpu.memory_space<vmem>> -> memref<1x80xi32, #tpu.memory_space<vmem>>
    %dma_wait3A_76 = tpu.memref_squeeze %dma_wait3A_75 : memref<1x80xi32, #tpu.memory_space<vmem>> -> memref<80xi32, #tpu.memory_space<vmem>>
    %dma_wait3A_77 = arith.constant 0 : i32
    %dma_wait3A_78 = arith.constant 0 : i32
    %dma_wait3A_79 = tpu.memref_slice %arg9[%dma_wait3A_77, %dma_wait3A_78] : memref<10240x128xf32, #tpu.memory_space<vmem_shared>> -> memref<10240x128xf32, #tpu.memory_space<vmem_shared>>
    tpu.wait_indirect_dma semaphore(%arg14 : memref<!tpu.dma_semaphore, #tpu.memory_space<semaphore_mem>>) src(%arg10 : memref<80x128xf32, #tpu.memory_space<vmem>>) dst(%dma_wait3A_79 : memref<10240x128xf32, #tpu.memory_space<vmem_shared>>)
    %barrier3A_80 = arith.constant 0 : index
    tpu.barrier barrier_id(%barrier3A_80)
    %mul3A_81 = arith.constant 640 : i32
    %mul3A_82 = arith.muli %arg1, %mul3A_81 : i32
    %mul3A_83 = arith.constant 640 : i32
    %mul3A_84 = arith.muli %arg1, %mul3A_83 : i32
    "tpu.region"() ({
      %run_scoped3A = tpu.sem_alloc : memref<!tpu.dma_semaphore, #tpu.memory_space<semaphore_mem>>
      %dma_start3A_85 = arith.constant 0 : i32
      %dma_start3A_86 = tpu.memref_slice %arg6[%arg0, %mul3A_84, %dma_start3A_85] : memref<2x10240x128xf32, #tpu.memory_space<hbm>> -> memref<1x640x128xf32, #tpu.memory_space<hbm>>
      %dma_start3A_87 = tpu.memref_squeeze %dma_start3A_86 : memref<1x640x128xf32, #tpu.memory_space<hbm>> -> memref<640x128xf32, #tpu.memory_space<hbm>>
      %dma_start3A_88 = arith.constant 0 : i32
      %dma_start3A_89 = tpu.memref_slice %arg9[%mul3A_82, %dma_start3A_88] : memref<10240x128xf32, #tpu.memory_space<vmem_shared>> -> memref<640x128xf32, #tpu.memory_space<vmem_shared>>
      tpu.enqueue_dma source(%dma_start3A_89 : memref<640x128xf32, #tpu.memory_space<vmem_shared>>) target(%dma_start3A_87 : memref<640x128xf32, #tpu.memory_space<hbm>>) target_semaphore(%run_scoped3A : memref<!tpu.dma_semaphore, #tpu.memory_space<semaphore_mem>>)
      %dma_wait3A_90 = arith.constant 0 : i32
      %dma_wait3A_91 = tpu.memref_slice %arg6[%arg0, %mul3A_84, %dma_wait3A_90] : memref<2x10240x128xf32, #tpu.memory_space<hbm>> -> memref<1x640x128xf32, #tpu.memory_space<hbm>>
      %dma_wait3A_92 = tpu.memref_squeeze %dma_wait3A_91 : memref<1x640x128xf32, #tpu.memory_space<hbm>> -> memref<640x128xf32, #tpu.memory_space<hbm>>
      %dma_wait3A_93 = arith.constant 0 : i32
      %dma_wait3A_94 = tpu.memref_slice %arg9[%mul3A_82, %dma_wait3A_93] : memref<10240x128xf32, #tpu.memory_space<vmem_shared>> -> memref<640x128xf32, #tpu.memory_space<vmem_shared>>
      tpu.wait_dma2 semaphore(%run_scoped3A : memref<!tpu.dma_semaphore, #tpu.memory_space<semaphore_mem>>) src(%dma_wait3A_94 : memref<640x128xf32, #tpu.memory_space<vmem_shared>>) dst(%dma_wait3A_92 : memref<640x128xf32, #tpu.memory_space<hbm>>)
      tpu.yield
    }) : () -> ()
    return
  }
}

#map = affine_map<(d0, d1) -> (0, 0, 0)>
#map1 = affine_map<(d0, d1) -> (0, 0)>
module attributes {stable_mosaic.version = 14 : i64} {
  func.func @_sc_deg(%arg0: i32, %arg1: i32, %arg2: memref<32x125x80xi32, #tpu.memory_space<hbm>>, %arg3: memref<10240x128xf32, #tpu.memory_space<hbm>>, %arg4: memref<80x128xf32, #tpu.memory_space<hbm>>, %arg5: memref<2x10240x128xf32, #tpu.memory_space<hbm>>, %arg6: memref<125x80xi32, #tpu.memory_space<vmem>>, %arg7: memref<80x128xf32, #tpu.memory_space<vmem>>, %arg8: memref<10240x128xf32, #tpu.memory_space<vmem_shared>>, %arg9: memref<!tpu.dma_semaphore, #tpu.memory_space<semaphore_mem>>) attributes {dimension_semantics = [#tpu.dimension_semantics<core_parallel>, #tpu.dimension_semantics<subcore_parallel>], iteration_bounds = array<i64: 2, 16>, scalar_prefetch = 0 : i64, scratch_operands = 4 : i64, tpu.core_type = #tpu.core_type<sc_vector_subcore>, window_params = [{transform_indices = #map}, {transform_indices = #map1}, {transform_indices = #map1}, {transform_indices = #map}]} {
    %mul3A = arith.constant 16 : i32
    %mul3A_0 = arith.muli %arg0, %mul3A : i32
    %add3A = arith.addi %mul3A_0, %arg1 : i32
    %mul3A_1 = arith.constant 640 : i32
    %mul3A_2 = arith.muli %arg1, %mul3A_1 : i32
    %mul3A_3 = arith.constant 640 : i32
    %mul3A_4 = arith.muli %arg1, %mul3A_3 : i32
    "tpu.region"() ({
      %run_scoped3A = tpu.sem_alloc : memref<!tpu.dma_semaphore, #tpu.memory_space<semaphore_mem>>
      %dma_start3A = arith.constant 0 : i32
      %dma_start3A_15 = tpu.memref_slice %arg8[%mul3A_4, %dma_start3A] : memref<10240x128xf32, #tpu.memory_space<vmem_shared>> -> memref<640x128xf32, #tpu.memory_space<vmem_shared>>
      %dma_start3A_16 = arith.constant 0 : i32
      %dma_start3A_17 = tpu.memref_slice %arg3[%mul3A_2, %dma_start3A_16] : memref<10240x128xf32, #tpu.memory_space<hbm>> -> memref<640x128xf32, #tpu.memory_space<hbm>>
      tpu.enqueue_dma source(%dma_start3A_17 : memref<640x128xf32, #tpu.memory_space<hbm>>) target(%dma_start3A_15 : memref<640x128xf32, #tpu.memory_space<vmem_shared>>) target_semaphore(%run_scoped3A : memref<!tpu.dma_semaphore, #tpu.memory_space<semaphore_mem>>)
      %dma_wait3A = arith.constant 0 : i32
      %dma_wait3A_18 = tpu.memref_slice %arg8[%mul3A_4, %dma_wait3A] : memref<10240x128xf32, #tpu.memory_space<vmem_shared>> -> memref<640x128xf32, #tpu.memory_space<vmem_shared>>
      %dma_wait3A_19 = arith.constant 0 : i32
      %dma_wait3A_20 = tpu.memref_slice %arg3[%mul3A_2, %dma_wait3A_19] : memref<10240x128xf32, #tpu.memory_space<hbm>> -> memref<640x128xf32, #tpu.memory_space<hbm>>
      tpu.wait_dma2 semaphore(%run_scoped3A : memref<!tpu.dma_semaphore, #tpu.memory_space<semaphore_mem>>) src(%dma_wait3A_20 : memref<640x128xf32, #tpu.memory_space<hbm>>) dst(%dma_wait3A_18 : memref<640x128xf32, #tpu.memory_space<vmem_shared>>)
      tpu.yield
    }) : () -> ()
    "tpu.region"() ({
      %run_scoped3A = tpu.sem_alloc : memref<!tpu.dma_semaphore, #tpu.memory_space<semaphore_mem>>
      tpu.enqueue_dma source(%arg4 : memref<80x128xf32, #tpu.memory_space<hbm>>) target(%arg7 : memref<80x128xf32, #tpu.memory_space<vmem>>) target_semaphore(%run_scoped3A : memref<!tpu.dma_semaphore, #tpu.memory_space<semaphore_mem>>)
      tpu.wait_dma2 semaphore(%run_scoped3A : memref<!tpu.dma_semaphore, #tpu.memory_space<semaphore_mem>>) src(%arg4 : memref<80x128xf32, #tpu.memory_space<hbm>>) dst(%arg7 : memref<80x128xf32, #tpu.memory_space<vmem>>)
      tpu.yield
    }) : () -> ()
    "tpu.region"() ({
      %run_scoped3A = tpu.sem_alloc : memref<!tpu.dma_semaphore, #tpu.memory_space<semaphore_mem>>
      %dma_start3A = arith.constant 0 : i32
      %dma_start3A_15 = arith.constant 0 : i32
      %dma_start3A_16 = tpu.memref_slice %arg2[%add3A, %dma_start3A, %dma_start3A_15] : memref<32x125x80xi32, #tpu.memory_space<hbm>> -> memref<1x125x80xi32, #tpu.memory_space<hbm>>
      %dma_start3A_17 = tpu.memref_squeeze %dma_start3A_16 : memref<1x125x80xi32, #tpu.memory_space<hbm>> -> memref<125x80xi32, #tpu.memory_space<hbm>>
      %dma_start3A_18 = arith.constant 0 : i32
      %dma_start3A_19 = arith.constant 0 : i32
      %dma_start3A_20 = tpu.memref_slice %arg2[%add3A, %dma_start3A_18, %dma_start3A_19] : memref<32x125x80xi32, #tpu.memory_space<hbm>> -> memref<1x125x80xi32, #tpu.memory_space<hbm>>
      %dma_start3A_21 = tpu.memref_squeeze %dma_start3A_20 : memref<1x125x80xi32, #tpu.memory_space<hbm>> -> memref<125x80xi32, #tpu.memory_space<hbm>>
      tpu.enqueue_dma source(%dma_start3A_21 : memref<125x80xi32, #tpu.memory_space<hbm>>) target(%arg6 : memref<125x80xi32, #tpu.memory_space<vmem>>) target_semaphore(%run_scoped3A : memref<!tpu.dma_semaphore, #tpu.memory_space<semaphore_mem>>)
      %dma_wait3A = arith.constant 0 : i32
      %dma_wait3A_22 = arith.constant 0 : i32
      %dma_wait3A_23 = tpu.memref_slice %arg2[%add3A, %dma_wait3A, %dma_wait3A_22] : memref<32x125x80xi32, #tpu.memory_space<hbm>> -> memref<1x125x80xi32, #tpu.memory_space<hbm>>
      %dma_wait3A_24 = tpu.memref_squeeze %dma_wait3A_23 : memref<1x125x80xi32, #tpu.memory_space<hbm>> -> memref<125x80xi32, #tpu.memory_space<hbm>>
      %dma_wait3A_25 = arith.constant 0 : i32
      %dma_wait3A_26 = arith.constant 0 : i32
      %dma_wait3A_27 = tpu.memref_slice %arg2[%add3A, %dma_wait3A_25, %dma_wait3A_26] : memref<32x125x80xi32, #tpu.memory_space<hbm>> -> memref<1x125x80xi32, #tpu.memory_space<hbm>>
      %dma_wait3A_28 = tpu.memref_squeeze %dma_wait3A_27 : memref<1x125x80xi32, #tpu.memory_space<hbm>> -> memref<125x80xi32, #tpu.memory_space<hbm>>
      tpu.wait_dma2 semaphore(%run_scoped3A : memref<!tpu.dma_semaphore, #tpu.memory_space<semaphore_mem>>) src(%dma_wait3A_28 : memref<125x80xi32, #tpu.memory_space<hbm>>) dst(%arg6 : memref<125x80xi32, #tpu.memory_space<vmem>>)
      tpu.yield
    }) : () -> ()
    %barrier3A = arith.constant 0 : index
    tpu.barrier barrier_id(%barrier3A)
    %scan3A = arith.constant 0 : i32
    %scan3A_5 = arith.constant 0 : i32
    %scan3A_6 = arith.constant 5 : i32
    %scan3A_7 = arith.addi %scan3A_5, %scan3A_6 : i32
    %scan3A_8 = arith.constant 1 : i32
    scf.for %scan3A_15 = %scan3A_5 to %scan3A_7 step %scan3A_8  : i32 {
      %scan3A_16 = arith.constant 0 : i32
      %scan3A_17 = arith.constant 0 : i32
      %scan3A_18 = arith.constant 25 : i32
      %scan3A_19 = arith.addi %scan3A_17, %scan3A_18 : i32
      %scan3A_20 = arith.constant 1 : i32
      scf.for %scan3A_28 = %scan3A_17 to %scan3A_19 step %scan3A_20  : i32 {
        %mul3A_29 = arith.constant 25 : i32
        %mul3A_30 = arith.muli %scan3A_15, %mul3A_29 : i32
        %add3A_31 = arith.addi %mul3A_30, %scan3A_28 : i32
        %dma_start3A = arith.constant 0 : i32
        %dma_start3A_32 = tpu.memref_slice %arg6[%add3A_31, %dma_start3A] : memref<125x80xi32, #tpu.memory_space<vmem>> -> memref<1x80xi32, #tpu.memory_space<vmem>>
        %dma_start3A_33 = tpu.memref_squeeze %dma_start3A_32 : memref<1x80xi32, #tpu.memory_space<vmem>> -> memref<80xi32, #tpu.memory_space<vmem>>
        %dma_start3A_34 = arith.constant 0 : i32
        %dma_start3A_35 = arith.constant 0 : i32
        %dma_start3A_36 = tpu.memref_slice %arg8[%dma_start3A_34, %dma_start3A_35] : memref<10240x128xf32, #tpu.memory_space<vmem_shared>> -> memref<10240x128xf32, #tpu.memory_space<vmem_shared>>
        tpu.enqueue_indirect_dma source(%arg7 : memref<80x128xf32, #tpu.memory_space<vmem>>) target(%dma_start3A_36 : memref<10240x128xf32, #tpu.memory_space<vmem_shared>>) offsets(%dma_start3A_33 : memref<80xi32, #tpu.memory_space<vmem>>) semaphore(%arg9 : memref<!tpu.dma_semaphore, #tpu.memory_space<semaphore_mem>>) {add = true}
      }
      %scan3A_21 = arith.constant 25 : i32
      %scan3A_22 = arith.constant 0 : i32
      %scan3A_23 = arith.constant 0 : i32
      %scan3A_24 = arith.constant 25 : i32
      %scan3A_25 = arith.addi %scan3A_23, %scan3A_24 : i32
      %scan3A_26 = arith.constant 1 : i32
      scf.for %scan3A_28 = %scan3A_23 to %scan3A_25 step %scan3A_26  : i32 {
        %mul3A_29 = arith.constant 25 : i32
        %mul3A_30 = arith.muli %scan3A_15, %mul3A_29 : i32
        %add3A_31 = arith.addi %mul3A_30, %scan3A_28 : i32
        %dma_wait3A = arith.constant 0 : i32
        %dma_wait3A_32 = tpu.memref_slice %arg6[%add3A_31, %dma_wait3A] : memref<125x80xi32, #tpu.memory_space<vmem>> -> memref<1x80xi32, #tpu.memory_space<vmem>>
        %dma_wait3A_33 = tpu.memref_squeeze %dma_wait3A_32 : memref<1x80xi32, #tpu.memory_space<vmem>> -> memref<80xi32, #tpu.memory_space<vmem>>
        %dma_wait3A_34 = arith.constant 0 : i32
        %dma_wait3A_35 = arith.constant 0 : i32
        %dma_wait3A_36 = tpu.memref_slice %arg8[%dma_wait3A_34, %dma_wait3A_35] : memref<10240x128xf32, #tpu.memory_space<vmem_shared>> -> memref<10240x128xf32, #tpu.memory_space<vmem_shared>>
        tpu.wait_indirect_dma semaphore(%arg9 : memref<!tpu.dma_semaphore, #tpu.memory_space<semaphore_mem>>) src(%arg7 : memref<80x128xf32, #tpu.memory_space<vmem>>) dst(%dma_wait3A_36 : memref<10240x128xf32, #tpu.memory_space<vmem_shared>>)
      }
      %scan3A_27 = arith.constant 25 : i32
    }
    %scan3A_9 = arith.constant 5 : i32
    %barrier3A_10 = arith.constant 0 : index
    tpu.barrier barrier_id(%barrier3A_10)
    %mul3A_11 = arith.constant 640 : i32
    %mul3A_12 = arith.muli %arg1, %mul3A_11 : i32
    %mul3A_13 = arith.constant 640 : i32
    %mul3A_14 = arith.muli %arg1, %mul3A_13 : i32
    "tpu.region"() ({
      %run_scoped3A = tpu.sem_alloc : memref<!tpu.dma_semaphore, #tpu.memory_space<semaphore_mem>>
      %dma_start3A = arith.constant 0 : i32
      %dma_start3A_15 = tpu.memref_slice %arg5[%arg0, %mul3A_14, %dma_start3A] : memref<2x10240x128xf32, #tpu.memory_space<hbm>> -> memref<1x640x128xf32, #tpu.memory_space<hbm>>
      %dma_start3A_16 = tpu.memref_squeeze %dma_start3A_15 : memref<1x640x128xf32, #tpu.memory_space<hbm>> -> memref<640x128xf32, #tpu.memory_space<hbm>>
      %dma_start3A_17 = arith.constant 0 : i32
      %dma_start3A_18 = tpu.memref_slice %arg8[%mul3A_12, %dma_start3A_17] : memref<10240x128xf32, #tpu.memory_space<vmem_shared>> -> memref<640x128xf32, #tpu.memory_space<vmem_shared>>
      tpu.enqueue_dma source(%dma_start3A_18 : memref<640x128xf32, #tpu.memory_space<vmem_shared>>) target(%dma_start3A_16 : memref<640x128xf32, #tpu.memory_space<hbm>>) target_semaphore(%run_scoped3A : memref<!tpu.dma_semaphore, #tpu.memory_space<semaphore_mem>>)
      %dma_wait3A = arith.constant 0 : i32
      %dma_wait3A_19 = tpu.memref_slice %arg5[%arg0, %mul3A_14, %dma_wait3A] : memref<2x10240x128xf32, #tpu.memory_space<hbm>> -> memref<1x640x128xf32, #tpu.memory_space<hbm>>
      %dma_wait3A_20 = tpu.memref_squeeze %dma_wait3A_19 : memref<1x640x128xf32, #tpu.memory_space<hbm>> -> memref<640x128xf32, #tpu.memory_space<hbm>>
      %dma_wait3A_21 = arith.constant 0 : i32
      %dma_wait3A_22 = tpu.memref_slice %arg8[%mul3A_12, %dma_wait3A_21] : memref<10240x128xf32, #tpu.memory_space<vmem_shared>> -> memref<640x128xf32, #tpu.memory_space<vmem_shared>>
      tpu.wait_dma2 semaphore(%run_scoped3A : memref<!tpu.dma_semaphore, #tpu.memory_space<semaphore_mem>>) src(%dma_wait3A_22 : memref<640x128xf32, #tpu.memory_space<vmem_shared>>) dst(%dma_wait3A_20 : memref<640x128xf32, #tpu.memory_space<hbm>>)
      tpu.yield
    }) : () -> ()
    return
  }
}

module attributes {stable_mosaic.version = 14 : i64} {
  func.func @_combine_body(%arg0: i32, %arg1: memref<2x2048x128xf32, #tpu.memory_space<vmem>>, %arg2: memref<2048x128xf32, #tpu.memory_space<vmem>>, %arg3: memref<2x2048x128xf32, #tpu.memory_space<vmem>>, %arg4: memref<128x128xf32, #tpu.memory_space<vmem>>, %arg5: memref<1x128xf32, #tpu.memory_space<vmem>>, %arg6: memref<2048x128xf32, #tpu.memory_space<vmem>>) attributes {dimension_semantics = [#tpu.dimension_semantics<arbitrary>], iteration_bounds = array<i64: 5>, scalar_prefetch = 0 : i64, scratch_operands = 0 : i64, tpu.core_type = #tpu.core_type<tc>, window_params = [{transform_indices = @transform_0, window_bounds = array<i64: 2, 2048, 128>}, {transform_indices = @transform_1, window_bounds = array<i64: 2048, 128>}, {transform_indices = @transform_2, window_bounds = array<i64: 2, 2048, 128>}, {pipeline_mode = #tpu.pipeline_mode<synchronous>, transform_indices = @transform_3, window_bounds = array<i64: 128, 128>}, {pipeline_mode = #tpu.pipeline_mode<synchronous>, transform_indices = @transform_4, window_bounds = array<i64: 1, 128>}, {transform_indices = @transform_5, window_bounds = array<i64: 2048, 128>}]} {
    %get3A = arith.constant 0 : index
    %get3A_0 = arith.constant 0 : index
    %get3A_1 = arith.constant 0 : index
    %get3A_2 = vector.load %arg1[%get3A, %get3A_0, %get3A_1] : memref<2x2048x128xf32, #tpu.memory_space<vmem>>, vector<1x2048x128xf32>
    %get3A_3 = vector.shape_cast %get3A_2 : vector<1x2048x128xf32> to vector<2048x128xf32>
    %get3A_4 = arith.constant 1 : index
    %get3A_5 = arith.constant 0 : index
    %get3A_6 = arith.constant 0 : index
    %get3A_7 = vector.load %arg1[%get3A_4, %get3A_5, %get3A_6] : memref<2x2048x128xf32, #tpu.memory_space<vmem>>, vector<1x2048x128xf32>
    %get3A_8 = vector.shape_cast %get3A_7 : vector<1x2048x128xf32> to vector<2048x128xf32>
    %add3A = arith.addf %get3A_3, %get3A_8 : vector<2048x128xf32>
    %get3A_9 = arith.constant 0 : index
    %get3A_10 = arith.constant 0 : index
    %get3A_11 = vector.load %arg2[%get3A_9, %get3A_10] : memref<2048x128xf32, #tpu.memory_space<vmem>>, vector<2048x128xf32>
    %add3A_12 = arith.addf %add3A, %get3A_11 : vector<2048x128xf32>
    %get3A_13 = arith.constant 0 : index
    %get3A_14 = arith.constant 0 : index
    %get3A_15 = arith.constant 0 : index
    %get3A_16 = vector.load %arg3[%get3A_13, %get3A_14, %get3A_15] : memref<2x2048x128xf32, #tpu.memory_space<vmem>>, vector<1x2048x1xf32>
    %get3A_17 = vector.shape_cast %get3A_16 : vector<1x2048x1xf32> to vector<2048x1xf32>
    %get3A_18 = arith.constant 1 : index
    %get3A_19 = arith.constant 0 : index
    %get3A_20 = arith.constant 0 : index
    %get3A_21 = vector.load %arg3[%get3A_18, %get3A_19, %get3A_20] : memref<2x2048x128xf32, #tpu.memory_space<vmem>>, vector<1x2048x1xf32>
    %get3A_22 = vector.shape_cast %get3A_21 : vector<1x2048x1xf32> to vector<2048x1xf32>
    %add3A_23 = arith.addf %get3A_17, %get3A_22 : vector<2048x1xf32>
    %add3A_24 = arith.constant 1.000000e+00 : f32
    %add3A_25 = vector.broadcast %add3A_24 : f32 to vector<2048x1xf32>
    %add3A_26 = arith.addf %add3A_23, %add3A_25 : vector<2048x1xf32>
    %div3A = vector.broadcast %add3A_26 : vector<2048x1xf32> to vector<2048x128xf32>
    %div3A_27 = arith.divf %add3A_12, %div3A : vector<2048x128xf32>
    %get3A_28 = arith.constant 0 : index
    %get3A_29 = arith.constant 0 : index
    %get3A_30 = vector.load %arg4[%get3A_28, %get3A_29] : memref<128x128xf32, #tpu.memory_space<vmem>>, vector<128x128xf32>
    %dot_general3A = arith.constant dense<0.000000e+00> : vector<2048x128xf32>
    %dot_general3A_31 = tpu.matmul %div3A_27, %get3A_30, %dot_general3A {dimension_numbers = #tpu.dot_dimension_numbers<[1], [0], [0], [1], [0, 0, 1, 1], [], []>, precision = #tpu.contract_precision<fp32>, transpose_lhs_hint = false} : vector<2048x128xf32>, vector<128x128xf32>, vector<2048x128xf32> -> vector<2048x128xf32>
    %get3A_32 = arith.constant 0 : index
    %get3A_33 = arith.constant 0 : index
    %get3A_34 = vector.load %arg5[%get3A_32, %get3A_33] : memref<1x128xf32, #tpu.memory_space<vmem>>, vector<1x128xf32>
    %add3A_35 = vector.broadcast %get3A_34 : vector<1x128xf32> to vector<2048x128xf32>
    %add3A_36 = arith.addf %dot_general3A_31, %add3A_35 : vector<2048x128xf32>
    %max3A = arith.constant 0.000000e+00 : f32
    %max3A_37 = vector.broadcast %max3A : f32 to vector<2048x128xf32>
    %max3A_38 = arith.maximumf %add3A_36, %max3A_37 : vector<2048x128xf32>
    %swap3A = arith.constant 0 : index
    %swap3A_39 = arith.constant 0 : index
    %swap3A_40 = vector.load %arg6[%swap3A, %swap3A_39] : memref<2048x128xf32, #tpu.memory_space<vmem>>, vector<2048x128xf32>
    tpu.vector_store %arg6[%swap3A, %swap3A_39], %max3A_38 {strides = array<i32>} : memref<2048x128xf32, #tpu.memory_space<vmem>>, vector<2048x128xf32>,
    return
  }
  func.func @transform_0(%arg0: i32) -> (i32, i32, i32) {
    %c0_i32 = arith.constant 0 : i32
    %c0_i32_0 = arith.constant 0 : i32
    %c0_i32_1 = arith.constant 0 : i32
    return %c0_i32, %arg0, %c0_i32_0 : i32, i32, i32
  }
  func.func @transform_1(%arg0: i32) -> (i32, i32) {
    %c0_i32 = arith.constant 0 : i32
    %c0_i32_0 = arith.constant 0 : i32
    return %arg0, %c0_i32 : i32, i32
  }
  func.func @transform_2(%arg0: i32) -> (i32, i32, i32) {
    %c0_i32 = arith.constant 0 : i32
    %c0_i32_0 = arith.constant 0 : i32
    %c0_i32_1 = arith.constant 0 : i32
    return %c0_i32, %arg0, %c0_i32_0 : i32, i32, i32
  }
  func.func @transform_3(%arg0: i32) -> (i32, i32) {
    %c0_i32 = arith.constant 0 : i32
    %c0_i32_0 = arith.constant 0 : i32
    %c0_i32_1 = arith.constant 0 : i32
    return %c0_i32, %c0_i32_0 : i32, i32
  }
  func.func @transform_4(%arg0: i32) -> (i32, i32) {
    %c0_i32 = arith.constant 0 : i32
    %c0_i32_0 = arith.constant 0 : i32
    %c0_i32_1 = arith.constant 0 : i32
    return %c0_i32, %c0_i32_0 : i32, i32
  }
  func.func @transform_5(%arg0: i32) -> (i32, i32) {
    %c0_i32 = arith.constant 0 : i32
    %c0_i32_0 = arith.constant 0 : i32
    return %arg0, %c0_i32 : i32, i32
  }
}

module attributes {stable_mosaic.version = 14 : i64} {
  func.func @_combine_body(%arg0: i32, %arg1: memref<2x2048x128xf32, #tpu.memory_space<vmem>>, %arg2: memref<2048x128xf32, #tpu.memory_space<vmem>>, %arg3: memref<2x2048x128xf32, #tpu.memory_space<vmem>>, %arg4: memref<128x128xf32, #tpu.memory_space<vmem>>, %arg5: memref<1x128xf32, #tpu.memory_space<vmem>>, %arg6: memref<2048x128xf32, #tpu.memory_space<vmem>>) attributes {dimension_semantics = [#tpu.dimension_semantics<arbitrary>], iteration_bounds = array<i64: 5>, scalar_prefetch = 0 : i64, scratch_operands = 0 : i64, tpu.core_type = #tpu.core_type<tc>, window_params = [{transform_indices = @transform_0, window_bounds = array<i64: 2, 2048, 128>}, {transform_indices = @transform_1, window_bounds = array<i64: 2048, 128>}, {transform_indices = @transform_2, window_bounds = array<i64: 2, 2048, 128>}, {pipeline_mode = #tpu.pipeline_mode<synchronous>, transform_indices = @transform_3, window_bounds = array<i64: 128, 128>}, {pipeline_mode = #tpu.pipeline_mode<synchronous>, transform_indices = @transform_4, window_bounds = array<i64: 1, 128>}, {transform_indices = @transform_5, window_bounds = array<i64: 2048, 128>}]} {
    %get3A = arith.constant 0 : index
    %get3A_0 = arith.constant 0 : index
    %get3A_1 = arith.constant 0 : index
    %get3A_2 = vector.load %arg1[%get3A, %get3A_0, %get3A_1] : memref<2x2048x128xf32, #tpu.memory_space<vmem>>, vector<1x2048x128xf32>
    %get3A_3 = vector.shape_cast %get3A_2 : vector<1x2048x128xf32> to vector<2048x128xf32>
    %get3A_4 = arith.constant 1 : index
    %get3A_5 = arith.constant 0 : index
    %get3A_6 = arith.constant 0 : index
    %get3A_7 = vector.load %arg1[%get3A_4, %get3A_5, %get3A_6] : memref<2x2048x128xf32, #tpu.memory_space<vmem>>, vector<1x2048x128xf32>
    %get3A_8 = vector.shape_cast %get3A_7 : vector<1x2048x128xf32> to vector<2048x128xf32>
    %add3A = arith.addf %get3A_3, %get3A_8 : vector<2048x128xf32>
    %get3A_9 = arith.constant 0 : index
    %get3A_10 = arith.constant 0 : index
    %get3A_11 = vector.load %arg2[%get3A_9, %get3A_10] : memref<2048x128xf32, #tpu.memory_space<vmem>>, vector<2048x128xf32>
    %add3A_12 = arith.addf %add3A, %get3A_11 : vector<2048x128xf32>
    %get3A_13 = arith.constant 0 : index
    %get3A_14 = arith.constant 0 : index
    %get3A_15 = arith.constant 0 : index
    %get3A_16 = vector.load %arg3[%get3A_13, %get3A_14, %get3A_15] : memref<2x2048x128xf32, #tpu.memory_space<vmem>>, vector<1x2048x1xf32>
    %get3A_17 = vector.shape_cast %get3A_16 : vector<1x2048x1xf32> to vector<2048x1xf32>
    %get3A_18 = arith.constant 1 : index
    %get3A_19 = arith.constant 0 : index
    %get3A_20 = arith.constant 0 : index
    %get3A_21 = vector.load %arg3[%get3A_18, %get3A_19, %get3A_20] : memref<2x2048x128xf32, #tpu.memory_space<vmem>>, vector<1x2048x1xf32>
    %get3A_22 = vector.shape_cast %get3A_21 : vector<1x2048x1xf32> to vector<2048x1xf32>
    %add3A_23 = arith.addf %get3A_17, %get3A_22 : vector<2048x1xf32>
    %add3A_24 = arith.constant 1.000000e+00 : f32
    %add3A_25 = vector.broadcast %add3A_24 : f32 to vector<2048x1xf32>
    %add3A_26 = arith.addf %add3A_23, %add3A_25 : vector<2048x1xf32>
    %div3A = vector.broadcast %add3A_26 : vector<2048x1xf32> to vector<2048x128xf32>
    %div3A_27 = arith.divf %add3A_12, %div3A : vector<2048x128xf32>
    %get3A_28 = arith.constant 0 : index
    %get3A_29 = arith.constant 0 : index
    %get3A_30 = vector.load %arg4[%get3A_28, %get3A_29] : memref<128x128xf32, #tpu.memory_space<vmem>>, vector<128x128xf32>
    %dot_general3A = arith.constant dense<0.000000e+00> : vector<2048x128xf32>
    %dot_general3A_31 = tpu.matmul %div3A_27, %get3A_30, %dot_general3A {dimension_numbers = #tpu.dot_dimension_numbers<[1], [0], [0], [1], [0, 0, 1, 1], [], []>, precision = #tpu.contract_precision<fp32>, transpose_lhs_hint = false} : vector<2048x128xf32>, vector<128x128xf32>, vector<2048x128xf32> -> vector<2048x128xf32>
    %get3A_32 = arith.constant 0 : index
    %get3A_33 = arith.constant 0 : index
    %get3A_34 = vector.load %arg5[%get3A_32, %get3A_33] : memref<1x128xf32, #tpu.memory_space<vmem>>, vector<1x128xf32>
    %add3A_35 = vector.broadcast %get3A_34 : vector<1x128xf32> to vector<2048x128xf32>
    %add3A_36 = arith.addf %dot_general3A_31, %add3A_35 : vector<2048x128xf32>
    %swap3A = arith.constant 0 : index
    %swap3A_37 = arith.constant 0 : index
    %swap3A_38 = vector.load %arg6[%swap3A, %swap3A_37] : memref<2048x128xf32, #tpu.memory_space<vmem>>, vector<2048x128xf32>
    tpu.vector_store %arg6[%swap3A, %swap3A_37], %add3A_36 {strides = array<i32>} : memref<2048x128xf32, #tpu.memory_space<vmem>>, vector<2048x128xf32>,
    return
  }
  func.func @transform_0(%arg0: i32) -> (i32, i32, i32) {
    %c0_i32 = arith.constant 0 : i32
    %c0_i32_0 = arith.constant 0 : i32
    %c0_i32_1 = arith.constant 0 : i32
    return %c0_i32, %arg0, %c0_i32_0 : i32, i32, i32
  }
  func.func @transform_1(%arg0: i32) -> (i32, i32) {
    %c0_i32 = arith.constant 0 : i32
    %c0_i32_0 = arith.constant 0 : i32
    return %arg0, %c0_i32 : i32, i32
  }
  func.func @transform_2(%arg0: i32) -> (i32, i32, i32) {
    %c0_i32 = arith.constant 0 : i32
    %c0_i32_0 = arith.constant 0 : i32
    %c0_i32_1 = arith.constant 0 : i32
    return %c0_i32, %arg0, %c0_i32_0 : i32, i32, i32
  }
  func.func @transform_3(%arg0: i32) -> (i32, i32) {
    %c0_i32 = arith.constant 0 : i32
    %c0_i32_0 = arith.constant 0 : i32
    %c0_i32_1 = arith.constant 0 : i32
    return %c0_i32, %c0_i32_0 : i32, i32
  }
  func.func @transform_4(%arg0: i32) -> (i32, i32) {
    %c0_i32 = arith.constant 0 : i32
    %c0_i32_0 = arith.constant 0 : i32
    %c0_i32_1 = arith.constant 0 : i32
    return %c0_i32, %c0_i32_0 : i32, i32
  }
  func.func @transform_5(%arg0: i32) -> (i32, i32) {
    %c0_i32 = arith.constant 0 : i32
    %c0_i32_0 = arith.constant 0 : i32
    return %arg0, %c0_i32 : i32, i32
  }
}

</mosaic_0001>

<sc_bundles>
// kernel: kernel.10.cloned.1.call-start
scs
__scs_entry_jumppad:
0x0: {  	(pc) =	sbr.rel $0x88, $3  }
0x1: {  	(tag) =	ssettag $0x0;
	lr =	simm.s32 $0x1  }
0x2: {  	[smem:$0x3F9B] =	sst lr;
	_ =	strace $0xD0000000  }
0x3: {  	_ = 	snop  }
0x4: {  	_ = 	snop  }
0x5: {  	_ = 	snop  }
0x6: {  	_ = 	snop  }
0x7: {  	_ = 	snop  }
__scs_overlays_trampoline_lowered:
0x8: {  	[smem:$0x3FAA] =	sst s0  }
0x9: {  	[smem:$0x3FAB] =	sst s1  }
0xa: {  	[smem:$0x3FAC] =	sst s2  }
0xb: {  	[smem:$0x3FAD] =	sst s3  }
0xc: {  	[smem:$0x3FAE] =	sst s4  }
0xd: {  	[smem:$0x3FAF] =	sst s5  }
0xe: {  	[smem:$0x3FB0] =	sst s6  }
0xf: {  	[smem:$0x3FB1] =	sst s7  }
0x10: {  	[smem:$0x3FB2] =	sst s8  }
0x11: {  	[smem:$0x3FB3] =	sst s9;
	s0 =	simm.s32 @!p0 $0x0  }
0x12: {  	s1 =	sld [smem:$0x3F99];
	s0 =	simm.s32 @p0 $0x1  }
0x13: {  	[smem:$0x3FB4] =	sst s0;
	s0 =	simm.s32 @!p1 $0x0  }
0x14: {  	s2 =	sld [smem:$0x3F98];
	s0 =	simm.s32 @p1 $0x1  }
0x15: {  	[smem:$0x3FB5] =	sst s0;
	s0 =	simm.s32 @!p2 $0x0  }
0x16: {  	s3 =	sld [smem:$0x3FDB];
	s0 =	simm.s32 @p2 $0x1  }
0x17: {  	s4 =	simm.s32 $0x1BF5;
	[smem:$0x3FB7] =	sst s0  }
0x18: {  	s0 =	sld [smem:$0x3F9A];
	_ =	swait.ge [sflag:s4], $0x0  }
0x19: {  	s7 =	sld [smem:$0x3F9B]  }
0x1a: {  	s8 =	sadd.s32 $0xFFFFE003, lr  }
0x1b: {  	s9 =	sadd.s32 $0xFFFFFEF7, lr;
	s5 =	simm.s32 $0xFFFFFFFF;
	p2 =	slt.u32 s8, $0xFFFFF086  }
0x1c: {  	p1 =	slt.u32 s9, $0xF7A;
	s5 =	simm.s32 @!p2 $0x0  }
0x1d: {  	s5 =	simm.s32 @p1 $0x1;
	p0 =	seq.s32 s7, s2  }
0x1e: {  	s7 =	smul.u32 @!p0 $0xF7A, s2;
	p2 =	seq.s32 @!p0 s5, $0x0  }
0x1f: {  	s9 =	smul.u32 $0xF7A, s1;
	s8 =	simm.s32 @!p0 $0x1BF5;
	p2 =	por !p2, p0  }
0x20: {  	[sflag:s8] =	ssyncset.s32 @!p0 $0xFFFFF086;
	s6 =	sadd.s32 @!p0 s3, s7;
	s7 =	simm.s32 @!p0 $0x108  }
0x21: {  	s3 =	sadd.s32 s3, s9;
	s6 =	sadd.s32 @!p0 $0x88, s6;
	s7 =	simm.s32 @p2 $0x1082  }
0x22: {  	[simem:s7], [sflag:s8] =	dma.local @!p0 [hbm:s6], $0xF7A  }
0x23: {  	s9 =	sor.u32 $0xD0000000, s2;
	s6 =	simm.s32 $0x108;
	_ =	swait.ge @!p0 [sflag:s8], $0x0  }
0x24: {  	s3 =	sadd.s32 $0x88, s3;
	s6 =	simm.s32 @!p1 $0x1082;
	[sflag:s4] =	ssyncset.s32 $0xFFFFF086  }
0x25: {  	[simem:s6], [sflag:s4] =	dma.local [hbm:s3], $0xF7A  }
0x26: {  	[smem:$0x3F9B] =	sst s1;
	(tag) =	ssettag s2;
	_ =	strace s9  }
0x27: {  	s1 =	sld [smem:$0x3FAB]  }
0x28: {  	s2 =	sld [smem:$0x3FAC]  }
0x29: {  	s4 =	sld [smem:$0x3FAE]  }
0x2a: {  	p0 =	seq.s32 s5, $0x0;
	s5 =	sld [smem:$0x3FAF]  }
0x2b: {  	s6 =	sld [smem:$0x3FB0]  }
0x2c: {  	s7 =	sld [smem:$0x3FB1]  }
0x2d: {  	s3 =	simm.s32 $0x108;
	s8 =	sld [smem:$0x3FB2]  }
0x2e: {  	s3 =	simm.s32 @!p0 $0x1082;
	s9 =	sld [smem:$0x3FB3]  }
0x2f: {  	lr =	sadd.s32 s0, s3;
	s0 =	sld [smem:$0x3FAA]  }
0x30: {  	s3 =	sld [smem:$0x3FAD]  }
0x31: {  	[smem:$0x3FB6] =	sst s10  }
0x32: {  	s10 =	sld [smem:$0x3FB4];
	_ =	sdelay $0x3  }
0x33: {  	p0 =	seq.s32 s10, $0x1;
	s10 =	sld [smem:$0x3FB6];
	_ =	sdelay $0x3  }
0x34: {  	[smem:$0x3FB6] =	sst s10  }
0x35: {  	s10 =	sld [smem:$0x3FB5];
	_ =	sdelay $0x3  }
0x36: {  	p1 =	seq.s32 s10, $0x1;
	s10 =	sld [smem:$0x3FB6];
	_ =	sdelay $0x3  }
0x37: {  	[smem:$0x3FB6] =	sst s10  }
0x38: {  	s10 =	sld [smem:$0x3FB7]  }
0x39: {  	_ = 	snop;
	(pc) =	sbr.ind lr, $3  }
0x3a: {  	_ = 	snop  }
0x3b: {  	_ = 	snop  }
0x3c: {  	p2 =	seq.s32 s10, $0x1;
	s10 =	sld [smem:$0x3FB6]  }
0x3d: {  	_ =	shalt  }
0x3e: {  	_ =	shalt  }
0x3f: {  	_ =	shalt  }
0x40: {  	_ =	shalt  }
0x41: {  	_ =	shalt  }
0x42: {  	_ =	shalt  }
0x43: {  	_ =	shalt  }
0x44: {  	_ =	shalt  }
0x45: {  	_ =	shalt  }
0x46: {  	_ =	shalt  }
0x47: {  	_ =	shalt  }
0x48: {  	_ =	shalt  }
0x49: {  	_ =	shalt  }
0x4a: {  	_ =	shalt  }
0x4b: {  	_ =	shalt  }
0x4c: {  	_ =	shalt  }
0x4d: {  	_ =	shalt  }
0x4e: {  	_ =	shalt  }
0x4f: {  	_ =	shalt  }
0x50: {  	_ =	shalt  }
0x51: {  	_ =	shalt  }
0x52: {  	_ =	shalt  }
0x53: {  	_ =	shalt  }
0x54: {  	_ =	shalt  }
0x55: {  	_ =	shalt  }
0x56: {  	_ =	shalt  }
0x57: {  	_ =	shalt  }
0x58: {  	_ =	shalt  }
0x59: {  	_ =	shalt  }
0x5a: {  	_ =	shalt  }
0x5b: {  	_ =	shalt  }
0x5c: {  	_ =	shalt  }
0x5d: {  	_ =	shalt  }
0x5e: {  	_ =	shalt  }
0x5f: {  	_ =	shalt  }
0x60: {  	_ =	shalt  }
0x61: {  	_ =	shalt  }
0x62: {  	_ =	shalt  }
0x63: {  	_ =	shalt  }
0x64: {  	_ =	shalt  }
0x65: {  	_ =	shalt  }
0x66: {  	_ =	shalt  }
0x67: {  	_ =	shalt  }
0x68: {  	_ =	shalt  }
0x69: {  	_ =	shalt  }
0x6a: {  	_ =	shalt  }
0x6b: {  	_ =	shalt  }
0x6c: {  	_ =	shalt  }
0x6d: {  	_ =	shalt  }
0x6e: {  	_ =	shalt  }
0x6f: {  	_ =	shalt  }
0x70: {  	_ =	shalt  }
0x71: {  	_ =	shalt  }
0x72: {  	_ =	shalt  }
0x73: {  	_ =	shalt  }
0x74: {  	_ =	shalt  }
0x75: {  	_ =	shalt  }
0x76: {  	_ =	shalt  }
0x77: {  	_ =	shalt  }
0x78: {  	_ =	shalt  }
0x79: {  	_ =	shalt  }
0x7a: {  	_ =	shalt  }
0x7b: {  	_ =	shalt  }
0x7c: {  	_ =	shalt  }
0x7d: {  	_ =	shalt  }
0x7e: {  	_ =	shalt  }
0x7f: {  	_ =	shalt  }
0x80: {  	_ =	shalt  }
0x81: {  	_ =	shalt  }
0x82: {  	_ =	shalt  }
0x83: {  	_ =	shalt  }
0x84: {  	_ =	shalt  }
0x85: {  	_ =	shalt  }
0x86: {  	_ =	shalt  }
0x87: {  	_ =	shalt  }
.Lfunc_end0:
.L_simem_size_0:
called_computation.1_lowered:
.L_overlay_start_0:
0x88: {  	s2 =	sld [smem:$0x3FD9]  }
0x89: {  	s3 =	sld [smem:$0x3FFE];
	_ =	sdelay $0x1  }
0x8a: {  	s1 =	srdreg.scid  }
0x8b: {  	s0 =	sand.u32 $0x1, s1  }
0x8c: {  	s17 =	sshll.u32 s0, $0xA;
	s2 =	sadd.s32 s3, s2  }
0x8d: {  	s2 =	sadd.s32 s2, s17  }
0x8e: {  	[smem:$0x3FC2] =	sst s2  }
0x8f: {  	_ = 	snop  }
0x90: {  	s2 =	sld [smem:$0x3FD0];
	(tm) =	ssettm $0x1  }
0x91: {  	s18 =	sld [smem:$0x3FFB];
	_ =	sdelay $0x3  }
0x92: {  	_ =	strace s18  }
0x93: {  	s3 =	sld [smem:$0x3FFC];
	_ =	sdelay $0x3  }
0x94: {  	_ =	strace s3  }
0x95: {  	s3 =	sld [smem:$0x3FFD];
	_ =	sdelay $0x3  }
0x96: {  	_ =	strace s3  }
0x97: {  	_ =	strace $0x8FFFFFFF  }
0x98: {  	s19 =	sld [smem:$0x3FDB];
	_ =	sdelay $0x1  }
0x99: {  	s4 =	simm.s32 $_scs_section_size  }
0x9a: {  	s5 =	simm.s32 $_size__tile_overlayer_lowered;
	s6 =	simm.s32 $_tile_overlayer_lowered  }
0x9b: {  	s22 =	simm.s32 $0x1BFF;
	s21 =	sshll.u32 s6, $0x1;
	s3 =	sadd.s32 s4, s19  }
0x9c: {  	s7 =	simm.s32 $0x0;
	s20 =	sshll.u32 s5, $0x1;
	s5 =	sadd.s32 s21, s3  }
0x9d: {  	[timem:s7], [sflag:s22] =	dma.local [hbm:s5], s20  }
0x9e: {  	_ =	swait.ge [sflag:s22], s20  }
0x9f: {  	s4 =	ssub.s32 $0x0, s20;
	[sflag:s22] =	ssyncset.done $0x0  }
0xa0: {  	[sflag:s22] =	ssyncadd.s32 s4;
	_ =	sdelay $0x1  }
0xa1: {  	s23 =	simm.s32 $0x1B8B  }
0xa2: {  	_ =	swait.ge [sflag:s23], $0x1  }
0xa3: {  	[sflag:s23] =	ssyncset.done $0x0  }
0xa4: {  	s25 =	simm.s32 $0x1B8E;
	s24 =	sld [smem:$0x3FFE];
	[sflag:s23] =	ssyncadd.s32 $0xFFFFFFFF  }
0xa5: {  	s26 =	simm.s32 $execute0_lowered;
	[smem:$0x3FD2] =	sst s25  }
0xa6: {  	s5 =	sshll.u32 s26, $0x1;
	_ =	strace $0x80000046;
	[dreg:$0x1] =	wrdreg $0xFFFFFFFF  }
0xa7: {  	s28 =	simm.s32 $_size_execute0_lowered;
	s3 =	sadd.s32 s3, s5;
	[dreg:$0x0] =	wrdreg $0x0  }
0xa8: {  	s5 =	sshll.u32 s28, $0x1;
	[dreg:$0x2] =	wrdreg s3  }
0xa9: {  	[dreg:$0x3] =	wrdreg s5  }
0xaa: {  	[dreg:$0x4] =	wrdreg $0xC0  }
0xab: {  	_ =	task [dreg:s7], $0x5FFFF  }
0xac: {  	[dreg:$0x1] =	wrdreg $0xFFFFFFFF  }
0xad: {  	[dreg:$0x0] =	wrdreg $0x60  }
0xae: {  	[dreg:$0x2] =	wrdreg s24  }
0xaf: {  	[dreg:$0x3] =	wrdreg s2  }
0xb0: {  	[dreg:$0x4] =	wrdreg $0x67800  }
0xb1: {  	[dreg:$0x5] =	wrdreg $0xA  }
0xb2: {  	_ =	task.clear_ibuf [dreg:s7], $0x6FFFF;
	_ =	strace $0x90000046  }
0xb3: {  	s29 =	simm.s32 $0xA;
	_ =	strace $0x80000048  }
0xb4: {  	_ =	swait.ge [sflag:s29], $0x1  }
0xb5: {  	[sflag:s29] =	ssyncadd.s32 $0xFFFFFFFF  }
0xb6: {  	_ =	strace $0x90000048  }
0xb7: {  	_ =	sfence  }
0xb8: {  	s30 =	sld [smem:$0x0];
	_ =	sdelay $0x2  }
0xb9: {  	s31 =	sshll.u32 s1, $0xD;
	s1 =	sshrl.u32 s1, $0x2  }
0xba: {  	s3 =	sand.u32 $0x4000, s31;
	s1 =	sadd.s32 s1, s30  }
0xbb: {  	s0 =	sor.u32 s3, s0;
	s1 =	sshll.u32 s1, $0x11  }
0xbc: {  	s0 =	sor.u32 s1, s0  }
0xbd: {  	s0 =	sadd.s32 $0x8F2B, s0  }
0xbe: {  	[sflag:s0] =	ssyncadd.remote.s32 $0x1  }
0xbf: {  	_ =	sfence.sel $0xFFFF  }
0xc0: {  	[dreg:$0x0] =	wrdreg $0xFFFFFFFF;
	(pc) =	sbr.abs _section_cstart, $3  }
0xc1: {  	[dreg:$0x1] =	wrdreg $0xFFFFFFFF  }
0xc2: {  	_ =	task.clear_ibuf [dreg:s7], $0x2FFFF;
	_ =	strace $0x9FFFFFFF  }
0xc3: {  	(tm) =	ssettm $0x7FFFFFFF  }
tec
execute0_lowered:
.L_overlay_start_1:
0x0: {  	(tag) =	ssettag $0x1  }
0x1: {  	s6 =	rddreg [dreg:$0x0]  }
0x2: {  	s0 =	srdreg.scid;
	s8 =	rddreg [dreg:$0x1]  }
0x3: {  	s24 =	stileid.u32;
	s2 =	rddreg [dreg:$0x2];
	s14 =	simm.s32 $0x400  }
0x4: {  	s15 =	simm.s32 $0x2780;
	s16 =	simm.s32 $0x50;
	s17 =	simm.s32 $0x1A780  }
0x5: {  	s18 =	simm.s32 $0x1CF80;
	s19 =	simm.s32 $0x1;
	s20 =	simm.s32 $0x2  }
0x6: {  	s21 =	simm.s32 $0x3;
	s22 =	simm.s32 $0x4;
	s23 =	simm.s32 $0x6480  }
0x7: {  	s28 =	simm.s32 $0x0;
	s5 =	sand.u32 $0x1, s0;
	s25 =	smul.u32 $0x14000, s24  }
0x8: {  	s3 =	sshll.u32 s24, $0x7;
	s26 =	smul.u32 $0x50000, s24;
	s30 =	sshll.u32 s24, $0x6  }
0x9: {  	s1 =	sshll.u32 s5, $0x4;
	s9 =	sand.u32 $0x380, s3;
	s3 =	simm.s32 $0x0  }
0xa: {  	s11 =	smul.u32 $0x140000, s5;
	s5 =	ssub.s32 $0x2, s5;
	s7 =	sor.u32 s24, s1  }
0xb: {  	[smem:$0x7FF] =	sst s3;
	s12 =	sshrl.u32 s25, $0x3;
	s29 =	sshrl.u32 s5, $0x1  }
0xc: {  	s24 =	simm.s32 $0x6500;
	s1 =	sshrl.u32 s7, $0x3;
	_ =	strace $0x80000047  }
0xd: {  	s12 =	sadd.s32 s12, s6;
	s31 =	sshll.u32 s7, $0xB;
	s4 =	smul.u32 $0x13C00, s1  }
0xe: {  	s13 =	ssub.s32 s5, s29;
	s5 =	sadd.s32 $0x33C00, s12;
	s8 =	sadd.s32 s8, s31  }
0xf: {  	s12 =	simm.s32 $0x5;
	s4 =	sor.u32 s9, s4;
	s9 =	sadd.s32 s25, s11  }
0x10: {  	s11 =	sshrl.u32 s26, $0x2;
	s25 =	simm.s32 $0x26C0;
	s26 =	simm.s32 $0x6580  }
0x11: {  	s10 =	sshrl.u32 s4, $0x3;
	s4 =	sadd.s32 $0xBC00, s6;
	s9 =	sshrl.u32 s9, $0x3  }
0x12: {  	s11 =	sadd.s32 s11, s2;
	s10 =	sadd.s32 s10, s6;
	s9 =	sadd.s32 s9, s6  }
0x13: {  	s6 =	sor.u32 $0x1C05, s30;
	s11 =	sshrl.u32 s11, $0x3;
	s7 =	sadd.s32 $0x1E00, s10  }
0x14: {  	s9 =	sadd.s32 $0x5BC00, s9;
	s10 =	smax.u32 s13, $0x1;
	s13 =	simm.s32 $0x80  }
.LBB2_1:
0x15: {  	[spmem:s11], [sflag:s6] =	dma.local [hbm:s5], $0x2800  }
0x16: {  	_ =	swait.ge [sflag:s12], $0x2800  }
0x17: {  	[sflag:s12] =	ssyncset.done $0x0  }
0x18: {  	[sflag:s12] =	ssyncadd.s32 $0xFFFFD800  }
0x19: {  	[tilespmem:s3], [sflag:$0x5] =	stream.strided.gather [hbm4b:s7+s13], $0x2780, s14, s13, $0x38;
	[tilespmem:$0x1F780] =	vst v63  }
0x1a: {  	_ =	swait.ge [sflag:s12], $0x2780  }
0x1b: {  	[sflag:s12] =	ssyncset.done $0x0  }
0x1c: {  	[sflag:s12] =	ssyncadd.s32 $0xFFFFD880  }
0x1d: {  	[tilespmem:s15], [sflag:$0x5] =	stream.linear.gather [hbm4b:s8+s3], $0x3E80, $0x38;
	[tilespmem:$0x1F780] =	vst v63  }
0x1e: {  	_ =	swait.ge [sflag:s12], $0x3E80  }
0x1f: {  	[sflag:s12] =	ssyncset.done $0x0  }
0x20: {  	[sflag:s12] =	ssyncadd.s32 $0xFFFFC180  }
0x21: {  	[bflag:$0x0] =	sbarrier.arrive $0xFFFF  }
0x22: {  	[tilespmem:s17], [sflag:$0x1] =	stream.indirect.gather [hbm4b:s4+s16], $0x80, s3, s16, $0xb8;
	[tilespmem:$0x1F780] =	vst v63  }
0x23: {  	_ = 	snop  }
0x24: {  	[tilespmem:s18], [sflag:$0x2] =	stream.indirect.gather [hbm4b:s4+s16], $0x80, s16, s16, $0xb8;
	[tilespmem:$0x1F780] =	vst v63  }
0x25: {  	_ =	swait.ge [sflag:s19], $0x2800  }
0x26: {  	[sflag:s19] =	ssyncset.done $0x0  }
0x27: {  	s29 =	simm.s32 $0x2780;
	[sflag:s19] =	ssyncadd.s32 $0xFFFFD800  }
0x28: {  	[spmem:s2] =	stream.indirect.scatter.add.f32 [tilespmem:s17], [sflag:$0x3], $0x80, s29, s16, $0xb8;
	[tilespmem:$0x1F780] =	vst v63  }
0x29: {  	_ =	swait.ge [sflag:s20], $0x2800  }
0x2a: {  	[sflag:s20] =	ssyncset.done $0x0  }
0x2b: {  	s29 =	simm.s32 $0x2800;
	[sflag:s20] =	ssyncadd.s32 $0xFFFFD800  }
0x2c: {  	[spmem:s2] =	stream.indirect.scatter.add.f32 [tilespmem:s18], [sflag:$0x4], $0x80, s29, s16, $0xb8;
	[tilespmem:$0x1F780] =	vst v63  }
0x2d: {  	_ =	swait.ge [sflag:s21], $0x2800  }
0x2e: {  	[sflag:s21] =	ssyncset.done $0x0  }
0x2f: {  	s29 =	simm.s32 $0xA0;
	[sflag:s21] =	ssyncadd.s32 $0xFFFFD800  }
0x30: {  	[tilespmem:s17], [sflag:$0x1] =	stream.indirect.gather [hbm4b:s4+s16], $0x80, s29, s16, $0xb8;
	[tilespmem:$0x1F780] =	vst v63  }
0x31: {  	_ =	swait.ge [sflag:s22], $0x2800  }
0x32: {  	s30 =	simm.s32 $0x400;
	[sflag:s22] =	ssyncset.done $0x0  }
0x33: {  	s31 =	simm.s32 $0x190;
	s29 =	simm.s32 $0xF0;
	[sflag:s22] =	ssyncadd.s32 $0xFFFFD800  }
.LBB2_2:
0x34: {  	[tilespmem:s18], [sflag:$0x2] =	stream.indirect.gather [hbm4b:s4+s16], $0x80, s29, s16, $0xb8;
	[tilespmem:$0x1F780] =	vst v63  }
0x35: {  	s1 =	smov.u32 s30;
	s29 =	smov.u32 s31  }
0x36: {  	p0 =	sne.s32 s30, $0xF000;
	s30 =	sadd.s32 $0x400, s30;
	_ =	swait.ge [sflag:s19], $0x2800  }
0x37: {  	s1 =	sshra.s32 s1, $0x2;
	[sflag:s19] =	ssyncset.done $0x0  }
0x38: {  	s0 =	sadd.s32 $0x2780, s1;
	[sflag:s19] =	ssyncadd.s32 $0xFFFFD800  }
0x39: {  	[spmem:s2] =	stream.indirect.scatter.add.f32 [tilespmem:s17], [sflag:$0x3], $0x80, s0, s16, $0xb8;
	[tilespmem:$0x1F780] =	vst v63  }
0x3a: {  	_ =	swait.ge [sflag:s20], $0x2800  }
0x3b: {  	[sflag:s20] =	ssyncset.done $0x0  }
0x3c: {  	s0 =	sadd.s32 $0x2800, s1;
	[sflag:s20] =	ssyncadd.s32 $0xFFFFD800  }
0x3d: {  	[spmem:s2] =	stream.indirect.scatter.add.f32 [tilespmem:s18], [sflag:$0x4], $0x80, s0, s16, $0xb8;
	[tilespmem:$0x1F780] =	vst v63  }
0x3e: {  	_ =	swait.ge [sflag:s21], $0x2800  }
0x3f: {  	[sflag:s21] =	ssyncset.done $0x0  }
.Ltmp0:
0x40: {  	s0 =	sadd.s32 $0xFFFFFFB0, s31;
	[sflag:s21] =	ssyncadd.s32 $0xFFFFD800;
	(pc) =	sbr.rel @p0 .LBB2_2-.Ltmp0, $4  }
0x41: {  	[tilespmem:s17], [sflag:$0x1] =	stream.indirect.gather [hbm4b:s4+s16], $0x80, s0, s16, $0xb8;
	[tilespmem:$0x1F780] =	vst v63  }
0x42: {  	_ =	swait.ge [sflag:s22], $0x2800  }
0x43: {  	[sflag:s22] =	ssyncset.done $0x0  }
0x44: {  	s31 =	sadd.s32 $0xA0, s31;
	[sflag:s22] =	ssyncadd.s32 $0xFFFFD800  }
0x45: {  	[tilespmem:s18], [sflag:$0x2] =	stream.indirect.gather [hbm4b:s4+s16], $0x80, s29, s16, $0xb8;
	[tilespmem:$0x1F780] =	vst v63  }
0x46: {  	_ =	swait.ge [sflag:s19], $0x2800  }
0x47: {  	[sflag:s19] =	ssyncset.done $0x0  }
0x48: {  	[sflag:s19] =	ssyncadd.s32 $0xFFFFD800  }
0x49: {  	[spmem:s2] =	stream.indirect.scatter.add.f32 [tilespmem:s17], [sflag:$0x3], $0x80, s23, s16, $0xb8;
	[tilespmem:$0x1F780] =	vst v63  }
0x4a: {  	_ =	swait.ge [sflag:s20], $0x2800  }
0x4b: {  	[sflag:s20] =	ssyncset.done $0x0  }
0x4c: {  	[sflag:s20] =	ssyncadd.s32 $0xFFFFD800  }
0x4d: {  	[spmem:s2] =	stream.indirect.scatter.add.f32 [tilespmem:s18], [sflag:$0x4], $0x80, s24, s16, $0xb8;
	[tilespmem:$0x1F780] =	vst v63  }
0x4e: {  	_ =	swait.ge [sflag:s21], $0x2800  }
0x4f: {  	[sflag:s21] =	ssyncset.done $0x0  }
0x50: {  	[sflag:s21] =	ssyncadd.s32 $0xFFFFD800  }
0x51: {  	[tilespmem:s17], [sflag:$0x1] =	stream.indirect.gather [hbm4b:s4+s16], $0x80, s25, s16, $0xb8;
	[tilespmem:$0x1F780] =	vst v63  }
0x52: {  	_ =	swait.ge [sflag:s22], $0x2800  }
0x53: {  	[sflag:s22] =	ssyncset.done $0x0  }
0x54: {  	[sflag:s22] =	ssyncadd.s32 $0xFFFFD800  }
0x55: {  	_ =	swait.ge [sflag:s19], $0x2800  }
0x56: {  	[sflag:s19] =	ssyncset.done $0x0  }
0x57: {  	[sflag:s19] =	ssyncadd.s32 $0xFFFFD800  }
0x58: {  	[spmem:s2] =	stream.indirect.scatter.add.f32 [tilespmem:s17], [sflag:$0x3], $0x80, s26, s16, $0xb8;
	[tilespmem:$0x1F780] =	vst v63  }
0x59: {  	_ =	swait.ge [sflag:s21], $0x2800  }
0x5a: {  	s28 =	sadd.s32 $0x1, s28;
	[sflag:s21] =	ssyncset.done $0x0  }
0x5b: {  	p0 =	sne.s32 s28, s10;
	[sflag:s21] =	ssyncadd.s32 $0xFFFFD800  }
.Ltmp1:
0x5c: {  	[bflag:$0x0] =	sbarrier.arrive $0xFFFF;
	(pc) =	sbr.rel @p0 .LBB2_1-.Ltmp1, $4  }
0x5d: {  	[hbm:s9], [sflag:s6] =	dma.local [spmem:s11], $0x2800  }
0x5e: {  	_ =	swait.ge [sflag:s12], $0x2800  }
0x5f: {  	[sflag:s12] =	ssyncset.done $0x0  }
0x60: {  	[sflag:s12] =	ssyncadd.s32 $0xFFFFD800  }
0x61: {  	_ =	sfence.sel $0x180000  }
0x62: {  	[bflag:$0x0] =	sbarrier.arrive $0xFFFF  }
0x63: {  	_ =	strace $0x90000047  }
0x64: {  	s0 =	stileid.u32;
	[bflag:$0x2] =	sbarrier.arrive $0xFFFF  }
0x65: {  	p0 =	sne.s32 s0, $0x0;
	s0 =	rddreg [dreg:$0x3]  }
0x66: {  	s0 =	sadd.s32 @!p0 $0x100000, s0  }
0x67: {  	[sflag:s0] =	ssyncadd.tile.s32 @!p0 $0x1;
	_ =	shalt  }
.Lfunc_end2:
_tile_overlayer_lowered:
.L_overlay_start_2:
0x68: {  	(tag) =	ssettag $0x2  }
0x69: {  	s0 =	rddreg [dreg:$0x0];
	s2 =	stileid.u32  }
0x6a: {  	s1 =	rddreg [dreg:$0x1];
	p0 =	sne.s32 s2, $0x0  }
0x6b: {  	s3 =	rddreg [dreg:$0x2];
	[bflag:$0x3] =	sbarrier.arrive $0xFFFF;
	s2 =	simm.s32 @!p0 $0x1C05  }
0x6c: {  	[timem:s3], [sflag:s2] =	dma.local @!p0 [hbm:s0], s1  }
0x6d: {  	s0 =	simm.s32 @!p0 $0x5  }
0x6e: {  	_ =	swait.ge @!p0 [sflag:s0], s1  }
0x6f: {  	s1 =	ssub.s32 @!p0 $0x0, s1;
	[sflag:s0] =	ssyncset.done @!p0 $0x0  }
0x70: {  	[sflag:s0] =	ssyncadd.s32 @!p0 s1  }
0x71: {  	[bflag:$0x3] =	sbarrier.arrive $0xFFFF  }
0x72: {  	_ =	shalt  }

// kernel: kernel.13.cloned.1.call-start
scs
__scs_entry_jumppad:
0x0: {  	(pc) =	sbr.rel $0x88, $3  }
0x1: {  	(tag) =	ssettag $0x0;
	lr =	simm.s32 $0x1  }
0x2: {  	[smem:$0x3F9B] =	sst lr;
	_ =	strace $0xD0000000  }
0x3: {  	_ = 	snop  }
0x4: {  	_ = 	snop  }
0x5: {  	_ = 	snop  }
0x6: {  	_ = 	snop  }
0x7: {  	_ = 	snop  }
__scs_overlays_trampoline_lowered:
0x8: {  	[smem:$0x3FAA] =	sst s0  }
0x9: {  	[smem:$0x3FAB] =	sst s1  }
0xa: {  	[smem:$0x3FAC] =	sst s2  }
0xb: {  	[smem:$0x3FAD] =	sst s3  }
0xc: {  	[smem:$0x3FAE] =	sst s4  }
0xd: {  	[smem:$0x3FAF] =	sst s5  }
0xe: {  	[smem:$0x3FB0] =	sst s6  }
0xf: {  	[smem:$0x3FB1] =	sst s7  }
0x10: {  	[smem:$0x3FB2] =	sst s8  }
0x11: {  	[smem:$0x3FB3] =	sst s9;
	s0 =	simm.s32 @!p0 $0x0  }
0x12: {  	s1 =	sld [smem:$0x3F99];
	s0 =	simm.s32 @p0 $0x1  }
0x13: {  	[smem:$0x3FB4] =	sst s0;
	s0 =	simm.s32 @!p1 $0x0  }
0x14: {  	s2 =	sld [smem:$0x3F98];
	s0 =	simm.s32 @p1 $0x1  }
0x15: {  	[smem:$0x3FB5] =	sst s0;
	s0 =	simm.s32 @!p2 $0x0  }
0x16: {  	s3 =	sld [smem:$0x3FDB];
	s0 =	simm.s32 @p2 $0x1  }
0x17: {  	s4 =	simm.s32 $0x1BF5;
	[smem:$0x3FB7] =	sst s0  }
0x18: {  	s0 =	sld [smem:$0x3F9A];
	_ =	swait.ge [sflag:s4], $0x0  }
0x19: {  	s7 =	sld [smem:$0x3F9B]  }
0x1a: {  	s8 =	sadd.s32 $0xFFFFE003, lr  }
0x1b: {  	s9 =	sadd.s32 $0xFFFFFEF7, lr;
	s5 =	simm.s32 $0xFFFFFFFF;
	p2 =	slt.u32 s8, $0xFFFFF086  }
0x1c: {  	p1 =	slt.u32 s9, $0xF7A;
	s5 =	simm.s32 @!p2 $0x0  }
0x1d: {  	s5 =	simm.s32 @p1 $0x1;
	p0 =	seq.s32 s7, s2  }
0x1e: {  	s7 =	smul.u32 @!p0 $0xF7A, s2;
	p2 =	seq.s32 @!p0 s5, $0x0  }
0x1f: {  	s9 =	smul.u32 $0xF7A, s1;
	s8 =	simm.s32 @!p0 $0x1BF5;
	p2 =	por !p2, p0  }
0x20: {  	[sflag:s8] =	ssyncset.s32 @!p0 $0xFFFFF086;
	s6 =	sadd.s32 @!p0 s3, s7;
	s7 =	simm.s32 @!p0 $0x108  }
0x21: {  	s3 =	sadd.s32 s3, s9;
	s6 =	sadd.s32 @!p0 $0x88, s6;
	s7 =	simm.s32 @p2 $0x1082  }
0x22: {  	[simem:s7], [sflag:s8] =	dma.local @!p0 [hbm:s6], $0xF7A  }
0x23: {  	s9 =	sor.u32 $0xD0000000, s2;
	s6 =	simm.s32 $0x108;
	_ =	swait.ge @!p0 [sflag:s8], $0x0  }
0x24: {  	s3 =	sadd.s32 $0x88, s3;
	s6 =	simm.s32 @!p1 $0x1082;
	[sflag:s4] =	ssyncset.s32 $0xFFFFF086  }
0x25: {  	[simem:s6], [sflag:s4] =	dma.local [hbm:s3], $0xF7A  }
0x26: {  	[smem:$0x3F9B] =	sst s1;
	(tag) =	ssettag s2;
	_ =	strace s9  }
0x27: {  	s1 =	sld [smem:$0x3FAB]  }
0x28: {  	s2 =	sld [smem:$0x3FAC]  }
0x29: {  	s4 =	sld [smem:$0x3FAE]  }
0x2a: {  	p0 =	seq.s32 s5, $0x0;
	s5 =	sld [smem:$0x3FAF]  }
0x2b: {  	s6 =	sld [smem:$0x3FB0]  }
0x2c: {  	s7 =	sld [smem:$0x3FB1]  }
0x2d: {  	s3 =	simm.s32 $0x108;
	s8 =	sld [smem:$0x3FB2]  }
0x2e: {  	s3 =	simm.s32 @!p0 $0x1082;
	s9 =	sld [smem:$0x3FB3]  }
0x2f: {  	lr =	sadd.s32 s0, s3;
	s0 =	sld [smem:$0x3FAA]  }
0x30: {  	s3 =	sld [smem:$0x3FAD]  }
0x31: {  	[smem:$0x3FB6] =	sst s10  }
0x32: {  	s10 =	sld [smem:$0x3FB4];
	_ =	sdelay $0x3  }
0x33: {  	p0 =	seq.s32 s10, $0x1;
	s10 =	sld [smem:$0x3FB6];
	_ =	sdelay $0x3  }
0x34: {  	[smem:$0x3FB6] =	sst s10  }
0x35: {  	s10 =	sld [smem:$0x3FB5];
	_ =	sdelay $0x3  }
0x36: {  	p1 =	seq.s32 s10, $0x1;
	s10 =	sld [smem:$0x3FB6];
	_ =	sdelay $0x3  }
0x37: {  	[smem:$0x3FB6] =	sst s10  }
0x38: {  	s10 =	sld [smem:$0x3FB7]  }
0x39: {  	_ = 	snop;
	(pc) =	sbr.ind lr, $3  }
0x3a: {  	_ = 	snop  }
0x3b: {  	_ = 	snop  }
0x3c: {  	p2 =	seq.s32 s10, $0x1;
	s10 =	sld [smem:$0x3FB6]  }
0x3d: {  	_ =	shalt  }
0x3e: {  	_ =	shalt  }
0x3f: {  	_ =	shalt  }
0x40: {  	_ =	shalt  }
0x41: {  	_ =	shalt  }
0x42: {  	_ =	shalt  }
0x43: {  	_ =	shalt  }
0x44: {  	_ =	shalt  }
0x45: {  	_ =	shalt  }
0x46: {  	_ =	shalt  }
0x47: {  	_ =	shalt  }
0x48: {  	_ =	shalt  }
0x49: {  	_ =	shalt  }
0x4a: {  	_ =	shalt  }
0x4b: {  	_ =	shalt  }
0x4c: {  	_ =	shalt  }
0x4d: {  	_ =	shalt  }
0x4e: {  	_ =	shalt  }
0x4f: {  	_ =	shalt  }
0x50: {  	_ =	shalt  }
0x51: {  	_ =	shalt  }
0x52: {  	_ =	shalt  }
0x53: {  	_ =	shalt  }
0x54: {  	_ =	shalt  }
0x55: {  	_ =	shalt  }
0x56: {  	_ =	shalt  }
0x57: {  	_ =	shalt  }
0x58: {  	_ =	shalt  }
0x59: {  	_ =	shalt  }
0x5a: {  	_ =	shalt  }
0x5b: {  	_ =	shalt  }
0x5c: {  	_ =	shalt  }
0x5d: {  	_ =	shalt  }
0x5e: {  	_ =	shalt  }
0x5f: {  	_ =	shalt  }
0x60: {  	_ =	shalt  }
0x61: {  	_ =	shalt  }
0x62: {  	_ =	shalt  }
0x63: {  	_ =	shalt  }
0x64: {  	_ =	shalt  }
0x65: {  	_ =	shalt  }
0x66: {  	_ =	shalt  }
0x67: {  	_ =	shalt  }
0x68: {  	_ =	shalt  }
0x69: {  	_ =	shalt  }
0x6a: {  	_ =	shalt  }
0x6b: {  	_ =	shalt  }
0x6c: {  	_ =	shalt  }
0x6d: {  	_ =	shalt  }
0x6e: {  	_ =	shalt  }
0x6f: {  	_ =	shalt  }
0x70: {  	_ =	shalt  }
0x71: {  	_ =	shalt  }
0x72: {  	_ =	shalt  }
0x73: {  	_ =	shalt  }
0x74: {  	_ =	shalt  }
0x75: {  	_ =	shalt  }
0x76: {  	_ =	shalt  }
0x77: {  	_ =	shalt  }
0x78: {  	_ =	shalt  }
0x79: {  	_ =	shalt  }
0x7a: {  	_ =	shalt  }
0x7b: {  	_ =	shalt  }
0x7c: {  	_ =	shalt  }
0x7d: {  	_ =	shalt  }
0x7e: {  	_ =	shalt  }
0x7f: {  	_ =	shalt  }
0x80: {  	_ =	shalt  }
0x81: {  	_ =	shalt  }
0x82: {  	_ =	shalt  }
0x83: {  	_ =	shalt  }
0x84: {  	_ =	shalt  }
0x85: {  	_ =	shalt  }
0x86: {  	_ =	shalt  }
0x87: {  	_ =	shalt  }
.Lfunc_end0:
.L_simem_size_0:
called_computation.2_lowered:
.L_overlay_start_0:
0x88: {  	s2 =	sld [smem:$0x3FD9]  }
0x89: {  	s3 =	sld [smem:$0x3FFE];
	_ =	sdelay $0x1  }
0x8a: {  	s1 =	srdreg.scid  }
0x8b: {  	s0 =	sand.u32 $0x1, s1  }
0x8c: {  	s17 =	sshll.u32 s0, $0xA;
	s2 =	sadd.s32 s3, s2  }
0x8d: {  	s2 =	sadd.s32 s2, s17  }
0x8e: {  	[smem:$0x3FC2] =	sst s2  }
0x8f: {  	_ = 	snop  }
0x90: {  	s2 =	sld [smem:$0x3FD0];
	(tm) =	ssettm $0x1  }
0x91: {  	s18 =	sld [smem:$0x3FFB];
	_ =	sdelay $0x3  }
0x92: {  	_ =	strace s18  }
0x93: {  	s3 =	sld [smem:$0x3FFC];
	_ =	sdelay $0x3  }
0x94: {  	_ =	strace s3  }
0x95: {  	s3 =	sld [smem:$0x3FFD];
	_ =	sdelay $0x3  }
0x96: {  	_ =	strace s3  }
0x97: {  	_ =	strace $0x8FFFFFFF  }
0x98: {  	s19 =	sld [smem:$0x3FDB];
	_ =	sdelay $0x1  }
0x99: {  	s4 =	simm.s32 $_scs_section_size  }
0x9a: {  	s5 =	simm.s32 $_size__tile_overlayer_lowered;
	s6 =	simm.s32 $_tile_overlayer_lowered  }
0x9b: {  	s22 =	simm.s32 $0x1BFF;
	s21 =	sshll.u32 s6, $0x1;
	s3 =	sadd.s32 s4, s19  }
0x9c: {  	s7 =	simm.s32 $0x0;
	s20 =	sshll.u32 s5, $0x1;
	s5 =	sadd.s32 s21, s3  }
0x9d: {  	[timem:s7], [sflag:s22] =	dma.local [hbm:s5], s20  }
0x9e: {  	_ =	swait.ge [sflag:s22], s20  }
0x9f: {  	s4 =	ssub.s32 $0x0, s20;
	[sflag:s22] =	ssyncset.done $0x0  }
0xa0: {  	[sflag:s22] =	ssyncadd.s32 s4;
	_ =	sdelay $0x1  }
0xa1: {  	s23 =	simm.s32 $0x1B8B  }
0xa2: {  	_ =	swait.ge [sflag:s23], $0x1  }
0xa3: {  	[sflag:s23] =	ssyncset.done $0x0  }
0xa4: {  	s25 =	simm.s32 $0x1B8E;
	s24 =	sld [smem:$0x3FFE];
	[sflag:s23] =	ssyncadd.s32 $0xFFFFFFFF  }
0xa5: {  	s26 =	simm.s32 $execute0_lowered;
	[smem:$0x3FD2] =	sst s25  }
0xa6: {  	s5 =	sshll.u32 s26, $0x1;
	_ =	strace $0x8000004C;
	[dreg:$0x1] =	wrdreg $0xFFFFFFFF  }
0xa7: {  	s28 =	simm.s32 $_size_execute0_lowered;
	s3 =	sadd.s32 s3, s5;
	[dreg:$0x0] =	wrdreg $0x0  }
0xa8: {  	s5 =	sshll.u32 s28, $0x1;
	[dreg:$0x2] =	wrdreg s3  }
0xa9: {  	[dreg:$0x3] =	wrdreg s5  }
0xaa: {  	[dreg:$0x4] =	wrdreg $0xC0  }
0xab: {  	_ =	task [dreg:s7], $0x5FFFF  }
0xac: {  	[dreg:$0x1] =	wrdreg $0xFFFFFFFF  }
0xad: {  	[dreg:$0x0] =	wrdreg $0x60  }
0xae: {  	[dreg:$0x2] =	wrdreg s24  }
0xaf: {  	[dreg:$0x3] =	wrdreg s2  }
0xb0: {  	[dreg:$0x4] =	wrdreg $0x67800  }
0xb1: {  	[dreg:$0x5] =	wrdreg $0x9  }
0xb2: {  	_ =	task.clear_ibuf [dreg:s7], $0x6FFFF;
	_ =	strace $0x9000004C  }
0xb3: {  	s29 =	simm.s32 $0x9;
	_ =	strace $0x8000004E  }
0xb4: {  	_ =	swait.ge [sflag:s29], $0x1  }
0xb5: {  	[sflag:s29] =	ssyncadd.s32 $0xFFFFFFFF  }
0xb6: {  	_ =	strace $0x9000004E  }
0xb7: {  	_ =	sfence  }
0xb8: {  	s30 =	sld [smem:$0x0];
	_ =	sdelay $0x2  }
0xb9: {  	s31 =	sshll.u32 s1, $0xD;
	s1 =	sshrl.u32 s1, $0x2  }
0xba: {  	s3 =	sand.u32 $0x4000, s31;
	s1 =	sadd.s32 s1, s30  }
0xbb: {  	s0 =	sor.u32 s3, s0;
	s1 =	sshll.u32 s1, $0x11  }
0xbc: {  	s0 =	sor.u32 s1, s0  }
0xbd: {  	s0 =	sadd.s32 $0x8F2B, s0  }
0xbe: {  	[sflag:s0] =	ssyncadd.remote.s32 $0x1  }
0xbf: {  	_ =	sfence.sel $0xFFFF  }
0xc0: {  	[dreg:$0x0] =	wrdreg $0xFFFFFFFF;
	(pc) =	sbr.abs _section_cstart, $3  }
0xc1: {  	[dreg:$0x1] =	wrdreg $0xFFFFFFFF  }
0xc2: {  	_ =	task.clear_ibuf [dreg:s7], $0x2FFFF;
	_ =	strace $0x9FFFFFFF  }
0xc3: {  	(tm) =	ssettm $0x7FFFFFFF  }
tec
execute0_lowered:
.L_overlay_start_1:
0x0: {  	(tag) =	ssettag $0x1  }
0x1: {  	s6 =	rddreg [dreg:$0x0]  }
0x2: {  	s0 =	srdreg.scid;
	s8 =	rddreg [dreg:$0x1]  }
0x3: {  	s24 =	stileid.u32;
	s2 =	rddreg [dreg:$0x2];
	s14 =	simm.s32 $0x400  }
0x4: {  	s15 =	simm.s32 $0x2780;
	s16 =	simm.s32 $0x50;
	s17 =	simm.s32 $0x1A780  }
0x5: {  	s18 =	simm.s32 $0x1CF80;
	s19 =	simm.s32 $0x1;
	s20 =	simm.s32 $0x2  }
0x6: {  	s21 =	simm.s32 $0x3;
	s22 =	simm.s32 $0x4;
	s23 =	simm.s32 $0x6480  }
0x7: {  	s28 =	simm.s32 $0x0;
	s5 =	sand.u32 $0x1, s0;
	s25 =	smul.u32 $0x14000, s24  }
0x8: {  	s3 =	sshll.u32 s24, $0x7;
	s26 =	smul.u32 $0x50000, s24;
	s30 =	sshll.u32 s24, $0x6  }
0x9: {  	s1 =	sshll.u32 s5, $0x4;
	s9 =	sand.u32 $0x380, s3;
	s3 =	simm.s32 $0x0  }
0xa: {  	s11 =	smul.u32 $0x140000, s5;
	s5 =	ssub.s32 $0x2, s5;
	s7 =	sor.u32 s24, s1  }
0xb: {  	[smem:$0x7FF] =	sst s3;
	s12 =	sshrl.u32 s25, $0x3;
	s29 =	sshrl.u32 s5, $0x1  }
0xc: {  	s24 =	simm.s32 $0x6500;
	s1 =	sshrl.u32 s7, $0x3;
	_ =	strace $0x8000004D  }
0xd: {  	s12 =	sadd.s32 s12, s6;
	s31 =	sshll.u32 s7, $0xB;
	s4 =	smul.u32 $0x13C00, s1  }
0xe: {  	s13 =	ssub.s32 s5, s29;
	s5 =	sadd.s32 $0x33C00, s12;
	s8 =	sadd.s32 s8, s31  }
0xf: {  	s12 =	simm.s32 $0x5;
	s4 =	sor.u32 s9, s4;
	s9 =	sadd.s32 s25, s11  }
0x10: {  	s11 =	sshrl.u32 s26, $0x2;
	s25 =	simm.s32 $0x26C0;
	s26 =	simm.s32 $0x6580  }
0x11: {  	s10 =	sshrl.u32 s4, $0x3;
	s4 =	sadd.s32 $0xBC00, s6;
	s9 =	sshrl.u32 s9, $0x3  }
0x12: {  	s11 =	sadd.s32 s11, s2;
	s10 =	sadd.s32 s10, s6;
	s9 =	sadd.s32 s9, s6  }
0x13: {  	s6 =	sor.u32 $0x1C05, s30;
	s11 =	sshrl.u32 s11, $0x3;
	s7 =	sadd.s32 $0x1E00, s10  }
0x14: {  	s9 =	sadd.s32 $0x5BC00, s9;
	s10 =	smax.u32 s13, $0x1;
	s13 =	simm.s32 $0x80  }
.LBB2_1:
0x15: {  	[spmem:s11], [sflag:s6] =	dma.local [hbm:s5], $0x2800  }
0x16: {  	_ =	swait.ge [sflag:s12], $0x2800  }
0x17: {  	[sflag:s12] =	ssyncset.done $0x0  }
0x18: {  	[sflag:s12] =	ssyncadd.s32 $0xFFFFD800  }
0x19: {  	[tilespmem:s3], [sflag:$0x5] =	stream.strided.gather [hbm4b:s7+s13], $0x2780, s14, s13, $0x38;
	[tilespmem:$0x1F780] =	vst v63  }
0x1a: {  	_ =	swait.ge [sflag:s12], $0x2780  }
0x1b: {  	[sflag:s12] =	ssyncset.done $0x0  }
0x1c: {  	[sflag:s12] =	ssyncadd.s32 $0xFFFFD880  }
0x1d: {  	[tilespmem:s15], [sflag:$0x5] =	stream.linear.gather [hbm4b:s8+s3], $0x3E80, $0x38;
	[tilespmem:$0x1F780] =	vst v63  }
0x1e: {  	_ =	swait.ge [sflag:s12], $0x3E80  }
0x1f: {  	[sflag:s12] =	ssyncset.done $0x0  }
0x20: {  	[sflag:s12] =	ssyncadd.s32 $0xFFFFC180  }
0x21: {  	[bflag:$0x0] =	sbarrier.arrive $0xFFFF  }
0x22: {  	[tilespmem:s17], [sflag:$0x1] =	stream.indirect.gather [hbm4b:s4+s16], $0x80, s3, s16, $0xb8;
	[tilespmem:$0x1F780] =	vst v63  }
0x23: {  	_ = 	snop  }
0x24: {  	[tilespmem:s18], [sflag:$0x2] =	stream.indirect.gather [hbm4b:s4+s16], $0x80, s16, s16, $0xb8;
	[tilespmem:$0x1F780] =	vst v63  }
0x25: {  	_ =	swait.ge [sflag:s19], $0x2800  }
0x26: {  	[sflag:s19] =	ssyncset.done $0x0  }
0x27: {  	s29 =	simm.s32 $0x2780;
	[sflag:s19] =	ssyncadd.s32 $0xFFFFD800  }
0x28: {  	[spmem:s2] =	stream.indirect.scatter.add.f32 [tilespmem:s17], [sflag:$0x3], $0x80, s29, s16, $0xb8;
	[tilespmem:$0x1F780] =	vst v63  }
0x29: {  	_ =	swait.ge [sflag:s20], $0x2800  }
0x2a: {  	[sflag:s20] =	ssyncset.done $0x0  }
0x2b: {  	s29 =	simm.s32 $0x2800;
	[sflag:s20] =	ssyncadd.s32 $0xFFFFD800  }
0x2c: {  	[spmem:s2] =	stream.indirect.scatter.add.f32 [tilespmem:s18], [sflag:$0x4], $0x80, s29, s16, $0xb8;
	[tilespmem:$0x1F780] =	vst v63  }
0x2d: {  	_ =	swait.ge [sflag:s21], $0x2800  }
0x2e: {  	[sflag:s21] =	ssyncset.done $0x0  }
0x2f: {  	s29 =	simm.s32 $0xA0;
	[sflag:s21] =	ssyncadd.s32 $0xFFFFD800  }
0x30: {  	[tilespmem:s17], [sflag:$0x1] =	stream.indirect.gather [hbm4b:s4+s16], $0x80, s29, s16, $0xb8;
	[tilespmem:$0x1F780] =	vst v63  }
0x31: {  	_ =	swait.ge [sflag:s22], $0x2800  }
0x32: {  	s30 =	simm.s32 $0x400;
	[sflag:s22] =	ssyncset.done $0x0  }
0x33: {  	s31 =	simm.s32 $0x190;
	s29 =	simm.s32 $0xF0;
	[sflag:s22] =	ssyncadd.s32 $0xFFFFD800  }
.LBB2_2:
0x34: {  	[tilespmem:s18], [sflag:$0x2] =	stream.indirect.gather [hbm4b:s4+s16], $0x80, s29, s16, $0xb8;
	[tilespmem:$0x1F780] =	vst v63  }
0x35: {  	s1 =	smov.u32 s30;
	s29 =	smov.u32 s31  }
0x36: {  	p0 =	sne.s32 s30, $0xF000;
	s30 =	sadd.s32 $0x400, s30;
	_ =	swait.ge [sflag:s19], $0x2800  }
0x37: {  	s1 =	sshra.s32 s1, $0x2;
	[sflag:s19] =	ssyncset.done $0x0  }
0x38: {  	s0 =	sadd.s32 $0x2780, s1;
	[sflag:s19] =	ssyncadd.s32 $0xFFFFD800  }
0x39: {  	[spmem:s2] =	stream.indirect.scatter.add.f32 [tilespmem:s17], [sflag:$0x3], $0x80, s0, s16, $0xb8;
	[tilespmem:$0x1F780] =	vst v63  }
0x3a: {  	_ =	swait.ge [sflag:s20], $0x2800  }
0x3b: {  	[sflag:s20] =	ssyncset.done $0x0  }
0x3c: {  	s0 =	sadd.s32 $0x2800, s1;
	[sflag:s20] =	ssyncadd.s32 $0xFFFFD800  }
0x3d: {  	[spmem:s2] =	stream.indirect.scatter.add.f32 [tilespmem:s18], [sflag:$0x4], $0x80, s0, s16, $0xb8;
	[tilespmem:$0x1F780] =	vst v63  }
0x3e: {  	_ =	swait.ge [sflag:s21], $0x2800  }
0x3f: {  	[sflag:s21] =	ssyncset.done $0x0  }
.Ltmp0:
0x40: {  	s0 =	sadd.s32 $0xFFFFFFB0, s31;
	[sflag:s21] =	ssyncadd.s32 $0xFFFFD800;
	(pc) =	sbr.rel @p0 .LBB2_2-.Ltmp0, $4  }
0x41: {  	[tilespmem:s17], [sflag:$0x1] =	stream.indirect.gather [hbm4b:s4+s16], $0x80, s0, s16, $0xb8;
	[tilespmem:$0x1F780] =	vst v63  }
0x42: {  	_ =	swait.ge [sflag:s22], $0x2800  }
0x43: {  	[sflag:s22] =	ssyncset.done $0x0  }
0x44: {  	s31 =	sadd.s32 $0xA0, s31;
	[sflag:s22] =	ssyncadd.s32 $0xFFFFD800  }
0x45: {  	[tilespmem:s18], [sflag:$0x2] =	stream.indirect.gather [hbm4b:s4+s16], $0x80, s29, s16, $0xb8;
	[tilespmem:$0x1F780] =	vst v63  }
0x46: {  	_ =	swait.ge [sflag:s19], $0x2800  }
0x47: {  	[sflag:s19] =	ssyncset.done $0x0  }
0x48: {  	[sflag:s19] =	ssyncadd.s32 $0xFFFFD800  }
0x49: {  	[spmem:s2] =	stream.indirect.scatter.add.f32 [tilespmem:s17], [sflag:$0x3], $0x80, s23, s16, $0xb8;
	[tilespmem:$0x1F780] =	vst v63  }
0x4a: {  	_ =	swait.ge [sflag:s20], $0x2800  }
0x4b: {  	[sflag:s20] =	ssyncset.done $0x0  }
0x4c: {  	[sflag:s20] =	ssyncadd.s32 $0xFFFFD800  }
0x4d: {  	[spmem:s2] =	stream.indirect.scatter.add.f32 [tilespmem:s18], [sflag:$0x4], $0x80, s24, s16, $0xb8;
	[tilespmem:$0x1F780] =	vst v63  }
0x4e: {  	_ =	swait.ge [sflag:s21], $0x2800  }
0x4f: {  	[sflag:s21] =	ssyncset.done $0x0  }
0x50: {  	[sflag:s21] =	ssyncadd.s32 $0xFFFFD800  }
0x51: {  	[tilespmem:s17], [sflag:$0x1] =	stream.indirect.gather [hbm4b:s4+s16], $0x80, s25, s16, $0xb8;
	[tilespmem:$0x1F780] =	vst v63  }
0x52: {  	_ =	swait.ge [sflag:s22], $0x2800  }
0x53: {  	[sflag:s22] =	ssyncset.done $0x0  }
0x54: {  	[sflag:s22] =	ssyncadd.s32 $0xFFFFD800  }
0x55: {  	_ =	swait.ge [sflag:s19], $0x2800  }
0x56: {  	[sflag:s19] =	ssyncset.done $0x0  }
0x57: {  	[sflag:s19] =	ssyncadd.s32 $0xFFFFD800  }
0x58: {  	[spmem:s2] =	stream.indirect.scatter.add.f32 [tilespmem:s17], [sflag:$0x3], $0x80, s26, s16, $0xb8;
	[tilespmem:$0x1F780] =	vst v63  }
0x59: {  	_ =	swait.ge [sflag:s21], $0x2800  }
0x5a: {  	s28 =	sadd.s32 $0x1, s28;
	[sflag:s21] =	ssyncset.done $0x0  }
0x5b: {  	p0 =	sne.s32 s28, s10;
	[sflag:s21] =	ssyncadd.s32 $0xFFFFD800  }
.Ltmp1:
0x5c: {  	[bflag:$0x0] =	sbarrier.arrive $0xFFFF;
	(pc) =	sbr.rel @p0 .LBB2_1-.Ltmp1, $4  }
0x5d: {  	[hbm:s9], [sflag:s6] =	dma.local [spmem:s11], $0x2800  }
0x5e: {  	_ =	swait.ge [sflag:s12], $0x2800  }
0x5f: {  	[sflag:s12] =	ssyncset.done $0x0  }
0x60: {  	[sflag:s12] =	ssyncadd.s32 $0xFFFFD800  }
0x61: {  	_ =	sfence.sel $0x180000  }
0x62: {  	[bflag:$0x0] =	sbarrier.arrive $0xFFFF  }
0x63: {  	_ =	strace $0x9000004D  }
0x64: {  	s0 =	stileid.u32;
	[bflag:$0x2] =	sbarrier.arrive $0xFFFF  }
0x65: {  	p0 =	sne.s32 s0, $0x0;
	s0 =	rddreg [dreg:$0x3]  }
0x66: {  	s0 =	sadd.s32 @!p0 $0x100000, s0  }
0x67: {  	[sflag:s0] =	ssyncadd.tile.s32 @!p0 $0x1;
	_ =	shalt  }
.Lfunc_end2:
_tile_overlayer_lowered:
.L_overlay_start_2:
0x68: {  	(tag) =	ssettag $0x2  }
0x69: {  	s0 =	rddreg [dreg:$0x0];
	s2 =	stileid.u32  }
0x6a: {  	s1 =	rddreg [dreg:$0x1];
	p0 =	sne.s32 s2, $0x0  }
0x6b: {  	s3 =	rddreg [dreg:$0x2];
	[bflag:$0x3] =	sbarrier.arrive $0xFFFF;
	s2 =	simm.s32 @!p0 $0x1C05  }
0x6c: {  	[timem:s3], [sflag:s2] =	dma.local @!p0 [hbm:s0], s1  }
0x6d: {  	s0 =	simm.s32 @!p0 $0x5  }
0x6e: {  	_ =	swait.ge @!p0 [sflag:s0], s1  }
0x6f: {  	s1 =	ssub.s32 @!p0 $0x0, s1;
	[sflag:s0] =	ssyncset.done @!p0 $0x0  }
0x70: {  	[sflag:s0] =	ssyncadd.s32 @!p0 s1  }
0x71: {  	[bflag:$0x3] =	sbarrier.arrive $0xFFFF  }
0x72: {  	_ =	shalt  }

// kernel: kernel.7.cloned.1.call-start
scs
__scs_entry_jumppad:
0x0: {  	(pc) =	sbr.rel $0x88, $3  }
0x1: {  	(tag) =	ssettag $0x0;
	lr =	simm.s32 $0x1  }
0x2: {  	[smem:$0x3F9B] =	sst lr;
	_ =	strace $0xD0000000  }
0x3: {  	_ = 	snop  }
0x4: {  	_ = 	snop  }
0x5: {  	_ = 	snop  }
0x6: {  	_ = 	snop  }
0x7: {  	_ = 	snop  }
__scs_overlays_trampoline_lowered:
0x8: {  	[smem:$0x3FAA] =	sst s0  }
0x9: {  	[smem:$0x3FAB] =	sst s1  }
0xa: {  	[smem:$0x3FAC] =	sst s2  }
0xb: {  	[smem:$0x3FAD] =	sst s3  }
0xc: {  	[smem:$0x3FAE] =	sst s4  }
0xd: {  	[smem:$0x3FAF] =	sst s5  }
0xe: {  	[smem:$0x3FB0] =	sst s6  }
0xf: {  	[smem:$0x3FB1] =	sst s7  }
0x10: {  	[smem:$0x3FB2] =	sst s8  }
0x11: {  	[smem:$0x3FB3] =	sst s9;
	s0 =	simm.s32 @!p0 $0x0  }
0x12: {  	s1 =	sld [smem:$0x3F99];
	s0 =	simm.s32 @p0 $0x1  }
0x13: {  	[smem:$0x3FB4] =	sst s0;
	s0 =	simm.s32 @!p1 $0x0  }
0x14: {  	s2 =	sld [smem:$0x3F98];
	s0 =	simm.s32 @p1 $0x1  }
0x15: {  	[smem:$0x3FB5] =	sst s0;
	s0 =	simm.s32 @!p2 $0x0  }
0x16: {  	s3 =	sld [smem:$0x3FDB];
	s0 =	simm.s32 @p2 $0x1  }
0x17: {  	s4 =	simm.s32 $0x1BF5;
	[smem:$0x3FB7] =	sst s0  }
0x18: {  	s0 =	sld [smem:$0x3F9A];
	_ =	swait.ge [sflag:s4], $0x0  }
0x19: {  	s7 =	sld [smem:$0x3F9B]  }
0x1a: {  	s8 =	sadd.s32 $0xFFFFE003, lr  }
0x1b: {  	s9 =	sadd.s32 $0xFFFFFEF7, lr;
	s5 =	simm.s32 $0xFFFFFFFF;
	p2 =	slt.u32 s8, $0xFFFFF086  }
0x1c: {  	p1 =	slt.u32 s9, $0xF7A;
	s5 =	simm.s32 @!p2 $0x0  }
0x1d: {  	s5 =	simm.s32 @p1 $0x1;
	p0 =	seq.s32 s7, s2  }
0x1e: {  	s7 =	smul.u32 @!p0 $0xF7A, s2;
	p2 =	seq.s32 @!p0 s5, $0x0  }
0x1f: {  	s9 =	smul.u32 $0xF7A, s1;
	s8 =	simm.s32 @!p0 $0x1BF5;
	p2 =	por !p2, p0  }
0x20: {  	[sflag:s8] =	ssyncset.s32 @!p0 $0xFFFFF086;
	s6 =	sadd.s32 @!p0 s3, s7;
	s7 =	simm.s32 @!p0 $0x108  }
0x21: {  	s3 =	sadd.s32 s3, s9;
	s6 =	sadd.s32 @!p0 $0x88, s6;
	s7 =	simm.s32 @p2 $0x1082  }
0x22: {  	[simem:s7], [sflag:s8] =	dma.local @!p0 [hbm:s6], $0xF7A  }
0x23: {  	s9 =	sor.u32 $0xD0000000, s2;
	s6 =	simm.s32 $0x108;
	_ =	swait.ge @!p0 [sflag:s8], $0x0  }
0x24: {  	s3 =	sadd.s32 $0x88, s3;
	s6 =	simm.s32 @!p1 $0x1082;
	[sflag:s4] =	ssyncset.s32 $0xFFFFF086  }
0x25: {  	[simem:s6], [sflag:s4] =	dma.local [hbm:s3], $0xF7A  }
0x26: {  	[smem:$0x3F9B] =	sst s1;
	(tag) =	ssettag s2;
	_ =	strace s9  }
0x27: {  	s1 =	sld [smem:$0x3FAB]  }
0x28: {  	s2 =	sld [smem:$0x3FAC]  }
0x29: {  	s4 =	sld [smem:$0x3FAE]  }
0x2a: {  	p0 =	seq.s32 s5, $0x0;
	s5 =	sld [smem:$0x3FAF]  }
0x2b: {  	s6 =	sld [smem:$0x3FB0]  }
0x2c: {  	s7 =	sld [smem:$0x3FB1]  }
0x2d: {  	s3 =	simm.s32 $0x108;
	s8 =	sld [smem:$0x3FB2]  }
0x2e: {  	s3 =	simm.s32 @!p0 $0x1082;
	s9 =	sld [smem:$0x3FB3]  }
0x2f: {  	lr =	sadd.s32 s0, s3;
	s0 =	sld [smem:$0x3FAA]  }
0x30: {  	s3 =	sld [smem:$0x3FAD]  }
0x31: {  	[smem:$0x3FB6] =	sst s10  }
0x32: {  	s10 =	sld [smem:$0x3FB4];
	_ =	sdelay $0x3  }
0x33: {  	p0 =	seq.s32 s10, $0x1;
	s10 =	sld [smem:$0x3FB6];
	_ =	sdelay $0x3  }
0x34: {  	[smem:$0x3FB6] =	sst s10  }
0x35: {  	s10 =	sld [smem:$0x3FB5];
	_ =	sdelay $0x3  }
0x36: {  	p1 =	seq.s32 s10, $0x1;
	s10 =	sld [smem:$0x3FB6];
	_ =	sdelay $0x3  }
0x37: {  	[smem:$0x3FB6] =	sst s10  }
0x38: {  	s10 =	sld [smem:$0x3FB7]  }
0x39: {  	_ = 	snop;
	(pc) =	sbr.ind lr, $3  }
0x3a: {  	_ = 	snop  }
0x3b: {  	_ = 	snop  }
0x3c: {  	p2 =	seq.s32 s10, $0x1;
	s10 =	sld [smem:$0x3FB6]  }
0x3d: {  	_ =	shalt  }
0x3e: {  	_ =	shalt  }
0x3f: {  	_ =	shalt  }
0x40: {  	_ =	shalt  }
0x41: {  	_ =	shalt  }
0x42: {  	_ =	shalt  }
0x43: {  	_ =	shalt  }
0x44: {  	_ =	shalt  }
0x45: {  	_ =	shalt  }
0x46: {  	_ =	shalt  }
0x47: {  	_ =	shalt  }
0x48: {  	_ =	shalt  }
0x49: {  	_ =	shalt  }
0x4a: {  	_ =	shalt  }
0x4b: {  	_ =	shalt  }
0x4c: {  	_ =	shalt  }
0x4d: {  	_ =	shalt  }
0x4e: {  	_ =	shalt  }
0x4f: {  	_ =	shalt  }
0x50: {  	_ =	shalt  }
0x51: {  	_ =	shalt  }
0x52: {  	_ =	shalt  }
0x53: {  	_ =	shalt  }
0x54: {  	_ =	shalt  }
0x55: {  	_ =	shalt  }
0x56: {  	_ =	shalt  }
0x57: {  	_ =	shalt  }
0x58: {  	_ =	shalt  }
0x59: {  	_ =	shalt  }
0x5a: {  	_ =	shalt  }
0x5b: {  	_ =	shalt  }
0x5c: {  	_ =	shalt  }
0x5d: {  	_ =	shalt  }
0x5e: {  	_ =	shalt  }
0x5f: {  	_ =	shalt  }
0x60: {  	_ =	shalt  }
0x61: {  	_ =	shalt  }
0x62: {  	_ =	shalt  }
0x63: {  	_ =	shalt  }
0x64: {  	_ =	shalt  }
0x65: {  	_ =	shalt  }
0x66: {  	_ =	shalt  }
0x67: {  	_ =	shalt  }
0x68: {  	_ =	shalt  }
0x69: {  	_ =	shalt  }
0x6a: {  	_ =	shalt  }
0x6b: {  	_ =	shalt  }
0x6c: {  	_ =	shalt  }
0x6d: {  	_ =	shalt  }
0x6e: {  	_ =	shalt  }
0x6f: {  	_ =	shalt  }
0x70: {  	_ =	shalt  }
0x71: {  	_ =	shalt  }
0x72: {  	_ =	shalt  }
0x73: {  	_ =	shalt  }
0x74: {  	_ =	shalt  }
0x75: {  	_ =	shalt  }
0x76: {  	_ =	shalt  }
0x77: {  	_ =	shalt  }
0x78: {  	_ =	shalt  }
0x79: {  	_ =	shalt  }
0x7a: {  	_ =	shalt  }
0x7b: {  	_ =	shalt  }
0x7c: {  	_ =	shalt  }
0x7d: {  	_ =	shalt  }
0x7e: {  	_ =	shalt  }
0x7f: {  	_ =	shalt  }
0x80: {  	_ =	shalt  }
0x81: {  	_ =	shalt  }
0x82: {  	_ =	shalt  }
0x83: {  	_ =	shalt  }
0x84: {  	_ =	shalt  }
0x85: {  	_ =	shalt  }
0x86: {  	_ =	shalt  }
0x87: {  	_ =	shalt  }
.Lfunc_end0:
.L_simem_size_0:
called_computation_lowered:
.L_overlay_start_0:
0x88: {  	s2 =	sld [smem:$0x3FD9]  }
0x89: {  	s3 =	sld [smem:$0x3FFE];
	_ =	sdelay $0x1  }
0x8a: {  	s1 =	srdreg.scid  }
0x8b: {  	s0 =	sand.u32 $0x1, s1  }
0x8c: {  	s17 =	sshll.u32 s0, $0xA;
	s2 =	sadd.s32 s3, s2  }
0x8d: {  	s2 =	sadd.s32 s2, s17  }
0x8e: {  	[smem:$0x3FC2] =	sst s2  }
0x8f: {  	_ = 	snop  }
0x90: {  	s18 =	sld [smem:$0x3FD0];
	(tm) =	ssettm $0x1  }
0x91: {  	s19 =	sld [smem:$0x3FFB];
	_ =	sdelay $0x3  }
0x92: {  	_ =	strace s19  }
0x93: {  	s2 =	sld [smem:$0x3FFC];
	_ =	sdelay $0x3  }
0x94: {  	_ =	strace s2  }
0x95: {  	s2 =	sld [smem:$0x3FFD];
	_ =	sdelay $0x3  }
0x96: {  	_ =	strace s2  }
0x97: {  	_ =	strace $0x8FFFFFFF  }
0x98: {  	s20 =	sld [smem:$0x3FDB];
	_ =	sdelay $0x1  }
0x99: {  	s4 =	simm.s32 $_scs_section_size  }
0x9a: {  	s5 =	simm.s32 $_size__tile_overlayer_lowered;
	s6 =	simm.s32 $_tile_overlayer_lowered  }
0x9b: {  	s7 =	simm.s32 $0x1BFF;
	s21 =	sshll.u32 s6, $0x1;
	s4 =	sadd.s32 s4, s20  }
0x9c: {  	s22 =	simm.s32 $0x0;
	s5 =	sshll.u32 s5, $0x1;
	s6 =	sadd.s32 s21, s4  }
0x9d: {  	[timem:s22], [sflag:s7] =	dma.local [hbm:s6], s5  }
0x9e: {  	_ =	swait.ge [sflag:s7], s5  }
0x9f: {  	s5 =	ssub.s32 $0x0, s5;
	[sflag:s7] =	ssyncset.done $0x0  }
0xa0: {  	[sflag:s7] =	ssyncadd.s32 s5;
	_ =	sdelay $0x1  }
0xa1: {  	s23 =	simm.s32 $0x1B8B  }
0xa2: {  	_ =	swait.ge [sflag:s23], $0x1  }
0xa3: {  	[sflag:s23] =	ssyncset.done $0x0  }
0xa4: {  	[sflag:s23] =	ssyncadd.s32 $0xFFFFFFFF  }
0xa5: {  	s5 =	sld [smem:$0x0]  }
0xa6: {  	s6 =	sand.u32 $0xFFFFFFFE, s1  }
0xa7: {  	p0 =	sne.s32 s1, s6  }
0xa8: {  	s6 =	sshll.u32 @p0 s6, $0xE  }
0xa9: {  	s6 =	sadd.s32 @p0 $0x11B8D, s6;
	s7 =	sshll.u32 @p0 s5, $0x11  }
0xaa: {  	s6 =	sor.u32 @p0 s7, s6  }
0xab: {  	[sflag:s6] =	ssyncadd.remote.s32 @p0 $0x1;
	_ =	sdelay $0x1  }
0xac: {  	s6 =	simm.s32 @p0 $0x1B8D  }
0xad: {  	_ =	swait.eq @p0 [sflag:s6], $0x1  }
0xae: {  	[sflag:s6] =	ssyncadd.s32 @p0 $0xFFFFFFFF  }
0xaf: {  	s7 =	sshll.u32 @!p0 s1, $0xE  }
0xb0: {  	s7 =	sor.u32 @!p0 $0x4000, s7;
	s6 =	simm.s32 @!p0 $0x1B8D  }
0xb1: {  	s5 =	sshll.u32 @!p0 s5, $0x11;
	s7 =	sadd.s32 @!p0 $0x11B8D, s7;
	_ =	swait.eq @!p0 [sflag:s6], $0x1  }
0xb2: {  	s5 =	sor.u32 @!p0 s5, s7;
	[sflag:s6] =	ssyncadd.s32 @!p0 $0xFFFFFFFF  }
0xb3: {  	s25 =	simm.s32 $0x1B8E;
	s24 =	sld [smem:$0x3FFE];
	[sflag:s5] =	ssyncadd.remote.s32 @!p0 $0x1  }
0xb4: {  	s26 =	simm.s32 $execute0_lowered;
	[smem:$0x3FD2] =	sst s25  }
0xb5: {  	s6 =	sshll.u32 s26, $0x1;
	_ =	strace $0x80000049;
	[dreg:$0x1] =	wrdreg $0xFFFFFFFF  }
0xb6: {  	s28 =	simm.s32 $_size_execute0_lowered;
	s4 =	sadd.s32 s4, s6;
	[dreg:$0x0] =	wrdreg $0x0  }
0xb7: {  	s6 =	sshll.u32 s28, $0x1;
	[dreg:$0x2] =	wrdreg s4  }
0xb8: {  	[dreg:$0x3] =	wrdreg s6  }
0xb9: {  	[dreg:$0x4] =	wrdreg $0xC0  }
0xba: {  	_ =	task [dreg:s22], $0x5FFFF  }
0xbb: {  	[dreg:$0x1] =	wrdreg $0xFFFFFFFF  }
0xbc: {  	[dreg:$0x0] =	wrdreg $0x60  }
0xbd: {  	[dreg:$0x2] =	wrdreg s18  }
0xbe: {  	[dreg:$0x3] =	wrdreg s24  }
0xbf: {  	[dreg:$0x4] =	wrdreg $0x68000  }
0xc0: {  	[dreg:$0x5] =	wrdreg $0x9  }
0xc1: {  	_ =	task.clear_ibuf [dreg:s22], $0x6FFFF;
	_ =	strace $0x90000049  }
0xc2: {  	s29 =	simm.s32 $0x9;
	_ =	strace $0x8000004B  }
0xc3: {  	_ =	swait.ge [sflag:s29], $0x1  }
0xc4: {  	[sflag:s29] =	ssyncadd.s32 $0xFFFFFFFF  }
0xc5: {  	_ =	strace $0x9000004B  }
0xc6: {  	_ =	sfence  }
0xc7: {  	s30 =	sld [smem:$0x0];
	_ =	sdelay $0x2  }
0xc8: {  	s31 =	sshll.u32 s1, $0xD;
	s1 =	sshrl.u32 s1, $0x2  }
0xc9: {  	s4 =	sand.u32 $0x4000, s31;
	s1 =	sadd.s32 s1, s30  }
0xca: {  	s0 =	sor.u32 s4, s0;
	s1 =	sshll.u32 s1, $0x11  }
0xcb: {  	s0 =	sor.u32 s1, s0  }
0xcc: {  	s0 =	sadd.s32 $0x8F2B, s0  }
0xcd: {  	[sflag:s0] =	ssyncadd.remote.s32 $0x1  }
0xce: {  	_ =	sfence.sel $0xFFFF  }
0xcf: {  	[dreg:$0x0] =	wrdreg $0xFFFFFFFF;
	(pc) =	sbr.abs _section_cstart, $3  }
0xd0: {  	[dreg:$0x1] =	wrdreg $0xFFFFFFFF  }
0xd1: {  	_ =	task.clear_ibuf [dreg:s22], $0x2FFFF;
	_ =	strace $0x9FFFFFFF  }
0xd2: {  	(tm) =	ssettm $0x7FFFFFFF  }
0xd3: {  	_ =	shalt  }
tec
execute0_lowered:
.L_overlay_start_1:
0x0: {  	(tag) =	ssettag $0x1  }
0x1: {  	s7 =	rddreg [dreg:$0x0]  }
0x2: {  	s5 =	rddreg [dreg:$0x1]  }
0x3: {  	s2 =	rddreg [dreg:$0x2];
	s0 =	stileid.u32  }
0x4: {  	s4 =	srdreg.scid;
	s1 =	rddreg [dreg:$0x3]  }
0x5: {  	s3 =	simm.s32 $0x0;
	s14 =	simm.s32 $0x1;
	s15 =	simm.s32 $0x0  }
0x6: {  	s6 =	smul.u32 $0x14000, s0;
	s8 =	sand.u32 $0x1, s4;
	[smem:$0x7FF] =	sst s3  }
0x7: {  	s11 =	smul.u32 $0x50000, s0;
	s4 =	sadd.s32 $0xABC00, s5;
	s30 =	sshll.u32 s0, $0x6  }
0x8: {  	s31 =	sshll.u32 s0, $0xB;
	s9 =	smul.u32 $0x140000, s8;
	_ =	strace $0x8000004A  }
0x9: {  	s29 =	ssub.s32 $0x2, s8;
	s8 =	sshll.u32 s8, $0xF;
	s7 =	sadd.s32 s7, s31  }
0xa: {  	s28 =	sshrl.u32 s6, $0x3;
	s12 =	sshrl.u32 s29, $0x1;
	s11 =	sshrl.u32 s11, $0x2  }
0xb: {  	s7 =	sadd.s32 s8, s7;
	s10 =	sadd.s32 s28, s5;
	s6 =	sadd.s32 s6, s9  }
0xc: {  	s9 =	ssub.s32 s29, s12;
	s11 =	sadd.s32 s11, s2;
	s6 =	sshrl.u32 s6, $0x3  }
0xd: {  	s12 =	simm.s32 $0x4000;
	s9 =	smax.u32 s9, $0x1;
	s13 =	sadd.s32 s6, s5  }
0xe: {  	s5 =	sadd.s32 $0x33C00, s10;
	s6 =	sor.u32 $0x1C02, s30;
	s10 =	sshrl.u32 s11, $0x3  }
0xf: {  	s11 =	simm.s32 $0x2;
	s8 =	sadd.s32 $0xAC200, s13;
	s13 =	simm.s32 $0x50  }
.LBB2_1:
0x10: {  	[spmem:s10], [sflag:s6] =	dma.local [hbm:s5], $0x2800  }
0x11: {  	_ =	swait.ge [sflag:s11], $0x2800  }
0x12: {  	[sflag:s11] =	ssyncset.done $0x0  }
0x13: {  	[sflag:s11] =	ssyncadd.s32 $0xFFFFD800  }
0x14: {  	[tilespmem:s12], [sflag:$0x2] =	stream.linear.gather [hbm4b:s4+s3], $0x2800, $0x38;
	[tilespmem:$0x1A800] =	vst v63  }
0x15: {  	_ =	swait.ge [sflag:s11], $0x2800  }
0x16: {  	[sflag:s11] =	ssyncset.done $0x0  }
0x17: {  	[sflag:s11] =	ssyncadd.s32 $0xFFFFD800  }
0x18: {  	[tilespmem:s3], [sflag:$0x2] =	stream.linear.gather [hbm4b:s7+s3], $0x3E80, $0x38;
	[tilespmem:$0x1A800] =	vst v63  }
0x19: {  	_ =	swait.ge [sflag:s11], $0x3E80  }
0x1a: {  	[sflag:s11] =	ssyncset.done $0x0  }
0x1b: {  	[sflag:s11] =	ssyncadd.s32 $0xFFFFC180  }
0x1c: {  	s16 =	simm.s32 $0x0;
	[bflag:$0x0] =	sbarrier.arrive $0xFFFF  }
0x1d: {  	[spmem:s2] =	stream.indirect.scatter.add.f32 [tilespmem:s12], [sflag:$0x1], $0x80, s16, s13, $0xb8;
	[tilespmem:$0x1A800] =	vst v63  }
0x1e: {  	s21 =	simm.s32 $0x80  }
0x1f: {  	[spmem:s2] =	stream.indirect.scatter.add.f32 [tilespmem:s12], [sflag:$0x1], $0x80, s21, s13, $0xb8;
	[tilespmem:$0x1A800] =	vst v63  }
0x20: {  	s22 =	simm.s32 $0x100  }
0x21: {  	[spmem:s2] =	stream.indirect.scatter.add.f32 [tilespmem:s12], [sflag:$0x1], $0x80, s22, s13, $0xb8;
	[tilespmem:$0x1A800] =	vst v63  }
0x22: {  	s23 =	simm.s32 $0x180  }
0x23: {  	[spmem:s2] =	stream.indirect.scatter.add.f32 [tilespmem:s12], [sflag:$0x1], $0x80, s23, s13, $0xb8;
	[tilespmem:$0x1A800] =	vst v63  }
0x24: {  	s24 =	simm.s32 $0x200  }
0x25: {  	[spmem:s2] =	stream.indirect.scatter.add.f32 [tilespmem:s12], [sflag:$0x1], $0x80, s24, s13, $0xb8;
	[tilespmem:$0x1A800] =	vst v63  }
0x26: {  	s25 =	simm.s32 $0x280  }
0x27: {  	[spmem:s2] =	stream.indirect.scatter.add.f32 [tilespmem:s12], [sflag:$0x1], $0x80, s25, s13, $0xb8;
	[tilespmem:$0x1A800] =	vst v63  }
0x28: {  	s26 =	simm.s32 $0x300  }
0x29: {  	[spmem:s2] =	stream.indirect.scatter.add.f32 [tilespmem:s12], [sflag:$0x1], $0x80, s26, s13, $0xb8;
	[tilespmem:$0x1A800] =	vst v63  }
0x2a: {  	s28 =	simm.s32 $0x380  }
0x2b: {  	[spmem:s2] =	stream.indirect.scatter.add.f32 [tilespmem:s12], [sflag:$0x1], $0x80, s28, s13, $0xb8;
	[tilespmem:$0x1A800] =	vst v63  }
0x2c: {  	s29 =	simm.s32 $0x400  }
0x2d: {  	[spmem:s2] =	stream.indirect.scatter.add.f32 [tilespmem:s12], [sflag:$0x1], $0x80, s29, s13, $0xb8;
	[tilespmem:$0x1A800] =	vst v63  }
0x2e: {  	s30 =	simm.s32 $0x480  }
0x2f: {  	[spmem:s2] =	stream.indirect.scatter.add.f32 [tilespmem:s12], [sflag:$0x1], $0x80, s30, s13, $0xb8;
	[tilespmem:$0x1A800] =	vst v63  }
0x30: {  	s31 =	simm.s32 $0x500  }
0x31: {  	[spmem:s2] =	stream.indirect.scatter.add.f32 [tilespmem:s12], [sflag:$0x1], $0x80, s31, s13, $0xb8;
	[tilespmem:$0x1A800] =	vst v63  }
0x32: {  	s17 =	simm.s32 $0x580  }
0x33: {  	[spmem:s2] =	stream.indirect.scatter.add.f32 [tilespmem:s12], [sflag:$0x1], $0x80, s17, s13, $0xb8;
	[tilespmem:$0x1A800] =	vst v63  }
0x34: {  	s18 =	simm.s32 $0x600  }
0x35: {  	[spmem:s2] =	stream.indirect.scatter.add.f32 [tilespmem:s12], [sflag:$0x1], $0x80, s18, s13, $0xb8;
	[tilespmem:$0x1A800] =	vst v63  }
0x36: {  	s19 =	simm.s32 $0x680  }
0x37: {  	[spmem:s2] =	stream.indirect.scatter.add.f32 [tilespmem:s12], [sflag:$0x1], $0x80, s19, s13, $0xb8;
	[tilespmem:$0x1A800] =	vst v63  }
0x38: {  	s20 =	simm.s32 $0x700  }
0x39: {  	[spmem:s2] =	stream.indirect.scatter.add.f32 [tilespmem:s12], [sflag:$0x1], $0x80, s20, s13, $0xb8;
	[tilespmem:$0x1A800] =	vst v63  }
0x3a: {  	s21 =	simm.s32 $0x780  }
0x3b: {  	[spmem:s2] =	stream.indirect.scatter.add.f32 [tilespmem:s12], [sflag:$0x1], $0x80, s21, s13, $0xb8;
	[tilespmem:$0x1A800] =	vst v63  }
0x3c: {  	s22 =	simm.s32 $0x800  }
0x3d: {  	[spmem:s2] =	stream.indirect.scatter.add.f32 [tilespmem:s12], [sflag:$0x1], $0x80, s22, s13, $0xb8;
	[tilespmem:$0x1A800] =	vst v63  }
0x3e: {  	s23 =	simm.s32 $0x880  }
0x3f: {  	[spmem:s2] =	stream.indirect.scatter.add.f32 [tilespmem:s12], [sflag:$0x1], $0x80, s23, s13, $0xb8;
	[tilespmem:$0x1A800] =	vst v63  }
0x40: {  	s24 =	simm.s32 $0x900  }
0x41: {  	[spmem:s2] =	stream.indirect.scatter.add.f32 [tilespmem:s12], [sflag:$0x1], $0x80, s24, s13, $0xb8;
	[tilespmem:$0x1A800] =	vst v63  }
0x42: {  	s25 =	simm.s32 $0x980  }
0x43: {  	[spmem:s2] =	stream.indirect.scatter.add.f32 [tilespmem:s12], [sflag:$0x1], $0x80, s25, s13, $0xb8;
	[tilespmem:$0x1A800] =	vst v63  }
0x44: {  	s26 =	simm.s32 $0xA00  }
0x45: {  	[spmem:s2] =	stream.indirect.scatter.add.f32 [tilespmem:s12], [sflag:$0x1], $0x80, s26, s13, $0xb8;
	[tilespmem:$0x1A800] =	vst v63  }
0x46: {  	s28 =	simm.s32 $0xA80  }
0x47: {  	[spmem:s2] =	stream.indirect.scatter.add.f32 [tilespmem:s12], [sflag:$0x1], $0x80, s28, s13, $0xb8;
	[tilespmem:$0x1A800] =	vst v63  }
0x48: {  	s29 =	simm.s32 $0xB00  }
0x49: {  	[spmem:s2] =	stream.indirect.scatter.add.f32 [tilespmem:s12], [sflag:$0x1], $0x80, s29, s13, $0xb8;
	[tilespmem:$0x1A800] =	vst v63  }
0x4a: {  	s30 =	simm.s32 $0xB80  }
0x4b: {  	[spmem:s2] =	stream.indirect.scatter.add.f32 [tilespmem:s12], [sflag:$0x1], $0x80, s30, s13, $0xb8;
	[tilespmem:$0x1A800] =	vst v63  }
0x4c: {  	s31 =	simm.s32 $0xC00  }
0x4d: {  	[spmem:s2] =	stream.indirect.scatter.add.f32 [tilespmem:s12], [sflag:$0x1], $0x80, s31, s13, $0xb8;
	[tilespmem:$0x1A800] =	vst v63  }
0x4e: {  	_ =	swait.ge [sflag:s14], $0x2800  }
0x4f: {  	[sflag:s14] =	ssyncset.done $0x0  }
0x50: {  	[sflag:s14] =	ssyncadd.s32 $0xFFFFD800  }
0x51: {  	_ =	swait.ge [sflag:s14], $0x2800  }
0x52: {  	[sflag:s14] =	ssyncset.done $0x0  }
0x53: {  	[sflag:s14] =	ssyncadd.s32 $0xFFFFD800  }
0x54: {  	_ =	swait.ge [sflag:s14], $0x2800  }
0x55: {  	[sflag:s14] =	ssyncset.done $0x0  }
0x56: {  	[sflag:s14] =	ssyncadd.s32 $0xFFFFD800  }
0x57: {  	_ =	swait.ge [sflag:s14], $0x2800  }
0x58: {  	[sflag:s14] =	ssyncset.done $0x0  }
0x59: {  	[sflag:s14] =	ssyncadd.s32 $0xFFFFD800  }
0x5a: {  	_ =	swait.ge [sflag:s14], $0x2800  }
0x5b: {  	[sflag:s14] =	ssyncset.done $0x0  }
0x5c: {  	[sflag:s14] =	ssyncadd.s32 $0xFFFFD800  }
0x5d: {  	_ =	swait.ge [sflag:s14], $0x2800  }
0x5e: {  	[sflag:s14] =	ssyncset.done $0x0  }
0x5f: {  	[sflag:s14] =	ssyncadd.s32 $0xFFFFD800  }
0x60: {  	_ =	swait.ge [sflag:s14], $0x2800  }
0x61: {  	[sflag:s14] =	ssyncset.done $0x0  }
0x62: {  	[sflag:s14] =	ssyncadd.s32 $0xFFFFD800  }
0x63: {  	_ =	swait.ge [sflag:s14], $0x2800  }
0x64: {  	[sflag:s14] =	ssyncset.done $0x0  }
0x65: {  	[sflag:s14] =	ssyncadd.s32 $0xFFFFD800  }
0x66: {  	_ =	swait.ge [sflag:s14], $0x2800  }
0x67: {  	[sflag:s14] =	ssyncset.done $0x0  }
0x68: {  	[sflag:s14] =	ssyncadd.s32 $0xFFFFD800  }
0x69: {  	_ =	swait.ge [sflag:s14], $0x2800  }
0x6a: {  	[sflag:s14] =	ssyncset.done $0x0  }
0x6b: {  	[sflag:s14] =	ssyncadd.s32 $0xFFFFD800  }
0x6c: {  	_ =	swait.ge [sflag:s14], $0x2800  }
0x6d: {  	[sflag:s14] =	ssyncset.done $0x0  }
0x6e: {  	[sflag:s14] =	ssyncadd.s32 $0xFFFFD800  }
0x6f: {  	_ =	swait.ge [sflag:s14], $0x2800  }
0x70: {  	[sflag:s14] =	ssyncset.done $0x0  }
0x71: {  	[sflag:s14] =	ssyncadd.s32 $0xFFFFD800  }
0x72: {  	_ =	swait.ge [sflag:s14], $0x2800  }
0x73: {  	[sflag:s14] =	ssyncset.done $0x0  }
0x74: {  	[sflag:s14] =	ssyncadd.s32 $0xFFFFD800  }
0x75: {  	_ =	swait.ge [sflag:s14], $0x2800  }
0x76: {  	[sflag:s14] =	ssyncset.done $0x0  }
0x77: {  	[sflag:s14] =	ssyncadd.s32 $0xFFFFD800  }
0x78: {  	_ =	swait.ge [sflag:s14], $0x2800  }
0x79: {  	[sflag:s14] =	ssyncset.done $0x0  }
0x7a: {  	[sflag:s14] =	ssyncadd.s32 $0xFFFFD800  }
0x7b: {  	_ =	swait.ge [sflag:s14], $0x2800  }
0x7c: {  	[sflag:s14] =	ssyncset.done $0x0  }
0x7d: {  	[sflag:s14] =	ssyncadd.s32 $0xFFFFD800  }
0x7e: {  	_ =	swait.ge [sflag:s14], $0x2800  }
0x7f: {  	[sflag:s14] =	ssyncset.done $0x0  }
0x80: {  	[sflag:s14] =	ssyncadd.s32 $0xFFFFD800  }
0x81: {  	_ =	swait.ge [sflag:s14], $0x2800  }
0x82: {  	[sflag:s14] =	ssyncset.done $0x0  }
0x83: {  	[sflag:s14] =	ssyncadd.s32 $0xFFFFD800  }
0x84: {  	_ =	swait.ge [sflag:s14], $0x2800  }
0x85: {  	[sflag:s14] =	ssyncset.done $0x0  }
0x86: {  	[sflag:s14] =	ssyncadd.s32 $0xFFFFD800  }
0x87: {  	_ =	swait.ge [sflag:s14], $0x2800  }
0x88: {  	[sflag:s14] =	ssyncset.done $0x0  }
0x89: {  	[sflag:s14] =	ssyncadd.s32 $0xFFFFD800  }
0x8a: {  	_ =	swait.ge [sflag:s14], $0x2800  }
0x8b: {  	[sflag:s14] =	ssyncset.done $0x0  }
0x8c: {  	[sflag:s14] =	ssyncadd.s32 $0xFFFFD800  }
0x8d: {  	_ =	swait.ge [sflag:s14], $0x2800  }
0x8e: {  	[sflag:s14] =	ssyncset.done $0x0  }
0x8f: {  	[sflag:s14] =	ssyncadd.s32 $0xFFFFD800  }
0x90: {  	_ =	swait.ge [sflag:s14], $0x2800  }
0x91: {  	[sflag:s14] =	ssyncset.done $0x0  }
0x92: {  	[sflag:s14] =	ssyncadd.s32 $0xFFFFD800  }
0x93: {  	_ =	swait.ge [sflag:s14], $0x2800  }
0x94: {  	[sflag:s14] =	ssyncset.done $0x0  }
0x95: {  	[sflag:s14] =	ssyncadd.s32 $0xFFFFD800  }
0x96: {  	_ =	swait.ge [sflag:s14], $0x2800  }
0x97: {  	s16 =	simm.s32 $0x3200;
	s19 =	simm.s32 $0x6400;
	[sflag:s14] =	ssyncset.done $0x0  }
.LBB2_2:
0x98: {  	s18 =	sshra.s32 s16, $0x2  }
0x99: {  	[sflag:s14] =	ssyncadd.s32 $0xFFFFD800;
	s16 =	smov.u32 s19;
	s17 =	sadd.s32 $0x3200, s19  }
0x9a: {  	[spmem:s2] =	stream.indirect.scatter.add.f32 [tilespmem:s12], [sflag:$0x1], $0x80, s18, s13, $0xb8;
	[tilespmem:$0x1A800] =	vst v63  }
0x9b: {  	p0 =	sne.s32 s19, $0xC800;
	s19 =	sadd.s32 $0x80, s18  }
0x9c: {  	[spmem:s2] =	stream.indirect.scatter.add.f32 [tilespmem:s12], [sflag:$0x1], $0x80, s19, s13, $0xb8;
	[tilespmem:$0x1A800] =	vst v63  }
0x9d: {  	s19 =	sadd.s32 $0x100, s18  }
0x9e: {  	[spmem:s2] =	stream.indirect.scatter.add.f32 [tilespmem:s12], [sflag:$0x1], $0x80, s19, s13, $0xb8;
	[tilespmem:$0x1A800] =	vst v63  }
0x9f: {  	s19 =	sadd.s32 $0x180, s18  }
0xa0: {  	[spmem:s2] =	stream.indirect.scatter.add.f32 [tilespmem:s12], [sflag:$0x1], $0x80, s19, s13, $0xb8;
	[tilespmem:$0x1A800] =	vst v63  }
0xa1: {  	s19 =	sadd.s32 $0x200, s18  }
0xa2: {  	[spmem:s2] =	stream.indirect.scatter.add.f32 [tilespmem:s12], [sflag:$0x1], $0x80, s19, s13, $0xb8;
	[tilespmem:$0x1A800] =	vst v63  }
0xa3: {  	s19 =	sadd.s32 $0x280, s18  }
0xa4: {  	[spmem:s2] =	stream.indirect.scatter.add.f32 [tilespmem:s12], [sflag:$0x1], $0x80, s19, s13, $0xb8;
	[tilespmem:$0x1A800] =	vst v63  }
0xa5: {  	s19 =	sadd.s32 $0x300, s18  }
0xa6: {  	[spmem:s2] =	stream.indirect.scatter.add.f32 [tilespmem:s12], [sflag:$0x1], $0x80, s19, s13, $0xb8;
	[tilespmem:$0x1A800] =	vst v63  }
0xa7: {  	s19 =	sadd.s32 $0x380, s18  }
0xa8: {  	[spmem:s2] =	stream.indirect.scatter.add.f32 [tilespmem:s12], [sflag:$0x1], $0x80, s19, s13, $0xb8;
	[tilespmem:$0x1A800] =	vst v63  }
0xa9: {  	s19 =	sadd.s32 $0x400, s18  }
0xaa: {  	[spmem:s2] =	stream.indirect.scatter.add.f32 [tilespmem:s12], [sflag:$0x1], $0x80, s19, s13, $0xb8;
	[tilespmem:$0x1A800] =	vst v63  }
0xab: {  	s19 =	sadd.s32 $0x480, s18  }
0xac: {  	[spmem:s2] =	stream.indirect.scatter.add.f32 [tilespmem:s12], [sflag:$0x1], $0x80, s19, s13, $0xb8;
	[tilespmem:$0x1A800] =	vst v63  }
0xad: {  	s19 =	sadd.s32 $0x500, s18  }
0xae: {  	[spmem:s2] =	stream.indirect.scatter.add.f32 [tilespmem:s12], [sflag:$0x1], $0x80, s19, s13, $0xb8;
	[tilespmem:$0x1A800] =	vst v63  }
0xaf: {  	s19 =	sadd.s32 $0x580, s18  }
0xb0: {  	[spmem:s2] =	stream.indirect.scatter.add.f32 [tilespmem:s12], [sflag:$0x1], $0x80, s19, s13, $0xb8;
	[tilespmem:$0x1A800] =	vst v63  }
0xb1: {  	s19 =	sadd.s32 $0x600, s18  }
0xb2: {  	[spmem:s2] =	stream.indirect.scatter.add.f32 [tilespmem:s12], [sflag:$0x1], $0x80, s19, s13, $0xb8;
	[tilespmem:$0x1A800] =	vst v63  }
0xb3: {  	s19 =	sadd.s32 $0x680, s18  }
0xb4: {  	[spmem:s2] =	stream.indirect.scatter.add.f32 [tilespmem:s12], [sflag:$0x1], $0x80, s19, s13, $0xb8;
	[tilespmem:$0x1A800] =	vst v63  }
0xb5: {  	s19 =	sadd.s32 $0x700, s18  }
0xb6: {  	[spmem:s2] =	stream.indirect.scatter.add.f32 [tilespmem:s12], [sflag:$0x1], $0x80, s19, s13, $0xb8;
	[tilespmem:$0x1A800] =	vst v63  }
0xb7: {  	s19 =	sadd.s32 $0x780, s18  }
0xb8: {  	[spmem:s2] =	stream.indirect.scatter.add.f32 [tilespmem:s12], [sflag:$0x1], $0x80, s19, s13, $0xb8;
	[tilespmem:$0x1A800] =	vst v63  }
0xb9: {  	s19 =	sadd.s32 $0x800, s18  }
0xba: {  	[spmem:s2] =	stream.indirect.scatter.add.f32 [tilespmem:s12], [sflag:$0x1], $0x80, s19, s13, $0xb8;
	[tilespmem:$0x1A800] =	vst v63  }
0xbb: {  	s19 =	sadd.s32 $0x880, s18  }
0xbc: {  	[spmem:s2] =	stream.indirect.scatter.add.f32 [tilespmem:s12], [sflag:$0x1], $0x80, s19, s13, $0xb8;
	[tilespmem:$0x1A800] =	vst v63  }
0xbd: {  	s19 =	sadd.s32 $0x900, s18  }
0xbe: {  	[spmem:s2] =	stream.indirect.scatter.add.f32 [tilespmem:s12], [sflag:$0x1], $0x80, s19, s13, $0xb8;
	[tilespmem:$0x1A800] =	vst v63  }
0xbf: {  	s19 =	sadd.s32 $0x980, s18  }
0xc0: {  	[spmem:s2] =	stream.indirect.scatter.add.f32 [tilespmem:s12], [sflag:$0x1], $0x80, s19, s13, $0xb8;
	[tilespmem:$0x1A800] =	vst v63  }
0xc1: {  	s19 =	sadd.s32 $0xA00, s18  }
0xc2: {  	[spmem:s2] =	stream.indirect.scatter.add.f32 [tilespmem:s12], [sflag:$0x1], $0x80, s19, s13, $0xb8;
	[tilespmem:$0x1A800] =	vst v63  }
0xc3: {  	s19 =	sadd.s32 $0xA80, s18  }
0xc4: {  	[spmem:s2] =	stream.indirect.scatter.add.f32 [tilespmem:s12], [sflag:$0x1], $0x80, s19, s13, $0xb8;
	[tilespmem:$0x1A800] =	vst v63  }
0xc5: {  	s19 =	sadd.s32 $0xB00, s18  }
0xc6: {  	[spmem:s2] =	stream.indirect.scatter.add.f32 [tilespmem:s12], [sflag:$0x1], $0x80, s19, s13, $0xb8;
	[tilespmem:$0x1A800] =	vst v63  }
0xc7: {  	s19 =	sadd.s32 $0xB80, s18  }
0xc8: {  	[spmem:s2] =	stream.indirect.scatter.add.f32 [tilespmem:s12], [sflag:$0x1], $0x80, s19, s13, $0xb8;
	[tilespmem:$0x1A800] =	vst v63  }
0xc9: {  	s18 =	sadd.s32 $0xC00, s18  }
0xca: {  	[spmem:s2] =	stream.indirect.scatter.add.f32 [tilespmem:s12], [sflag:$0x1], $0x80, s18, s13, $0xb8;
	[tilespmem:$0x1A800] =	vst v63  }
0xcb: {  	_ =	swait.ge [sflag:s14], $0x2800  }
0xcc: {  	[sflag:s14] =	ssyncset.done $0x0  }
0xcd: {  	[sflag:s14] =	ssyncadd.s32 $0xFFFFD800  }
0xce: {  	_ =	swait.ge [sflag:s14], $0x2800  }
0xcf: {  	[sflag:s14] =	ssyncset.done $0x0  }
0xd0: {  	[sflag:s14] =	ssyncadd.s32 $0xFFFFD800  }
0xd1: {  	_ =	swait.ge [sflag:s14], $0x2800  }
0xd2: {  	[sflag:s14] =	ssyncset.done $0x0  }
0xd3: {  	[sflag:s14] =	ssyncadd.s32 $0xFFFFD800  }
0xd4: {  	_ =	swait.ge [sflag:s14], $0x2800  }
0xd5: {  	[sflag:s14] =	ssyncset.done $0x0  }
0xd6: {  	[sflag:s14] =	ssyncadd.s32 $0xFFFFD800  }
0xd7: {  	_ =	swait.ge [sflag:s14], $0x2800  }
0xd8: {  	[sflag:s14] =	ssyncset.done $0x0  }
0xd9: {  	[sflag:s14] =	ssyncadd.s32 $0xFFFFD800  }
0xda: {  	_ =	swait.ge [sflag:s14], $0x2800  }
0xdb: {  	[sflag:s14] =	ssyncset.done $0x0  }
0xdc: {  	[sflag:s14] =	ssyncadd.s32 $0xFFFFD800  }
0xdd: {  	_ =	swait.ge [sflag:s14], $0x2800  }
0xde: {  	[sflag:s14] =	ssyncset.done $0x0  }
0xdf: {  	[sflag:s14] =	ssyncadd.s32 $0xFFFFD800  }
0xe0: {  	_ =	swait.ge [sflag:s14], $0x2800  }
0xe1: {  	[sflag:s14] =	ssyncset.done $0x0  }
0xe2: {  	[sflag:s14] =	ssyncadd.s32 $0xFFFFD800  }
0xe3: {  	_ =	swait.ge [sflag:s14], $0x2800  }
0xe4: {  	[sflag:s14] =	ssyncset.done $0x0  }
0xe5: {  	[sflag:s14] =	ssyncadd.s32 $0xFFFFD800  }
0xe6: {  	_ =	swait.ge [sflag:s14], $0x2800  }
0xe7: {  	[sflag:s14] =	ssyncset.done $0x0  }
0xe8: {  	[sflag:s14] =	ssyncadd.s32 $0xFFFFD800  }
0xe9: {  	_ =	swait.ge [sflag:s14], $0x2800  }
0xea: {  	[sflag:s14] =	ssyncset.done $0x0  }
0xeb: {  	[sflag:s14] =	ssyncadd.s32 $0xFFFFD800  }
0xec: {  	_ =	swait.ge [sflag:s14], $0x2800  }
0xed: {  	[sflag:s14] =	ssyncset.done $0x0  }
0xee: {  	[sflag:s14] =	ssyncadd.s32 $0xFFFFD800  }
0xef: {  	_ =	swait.ge [sflag:s14], $0x2800  }
0xf0: {  	[sflag:s14] =	ssyncset.done $0x0  }
0xf1: {  	[sflag:s14] =	ssyncadd.s32 $0xFFFFD800  }
0xf2: {  	_ =	swait.ge [sflag:s14], $0x2800  }
0xf3: {  	[sflag:s14] =	ssyncset.done $0x0  }
0xf4: {  	[sflag:s14] =	ssyncadd.s32 $0xFFFFD800  }
0xf5: {  	_ =	swait.ge [sflag:s14], $0x2800  }
0xf6: {  	[sflag:s14] =	ssyncset.done $0x0  }
0xf7: {  	[sflag:s14] =	ssyncadd.s32 $0xFFFFD800  }
0xf8: {  	_ =	swait.ge [sflag:s14], $0x2800  }
0xf9: {  	[sflag:s14] =	ssyncset.done $0x0  }
0xfa: {  	[sflag:s14] =	ssyncadd.s32 $0xFFFFD800  }
0xfb: {  	_ =	swait.ge [sflag:s14], $0x2800  }
0xfc: {  	[sflag:s14] =	ssyncset.done $0x0  }
0xfd: {  	[sflag:s14] =	ssyncadd.s32 $0xFFFFD800  }
0xfe: {  	_ =	swait.ge [sflag:s14], $0x2800  }
0xff: {  	[sflag:s14] =	ssyncset.done $0x0  }
0x100: {  	[sflag:s14] =	ssyncadd.s32 $0xFFFFD800  }
0x101: {  	_ =	swait.ge [sflag:s14], $0x2800  }
0x102: {  	[sflag:s14] =	ssyncset.done $0x0  }
0x103: {  	[sflag:s14] =	ssyncadd.s32 $0xFFFFD800  }
0x104: {  	_ =	swait.ge [sflag:s14], $0x2800  }
0x105: {  	[sflag:s14] =	ssyncset.done $0x0  }
0x106: {  	[sflag:s14] =	ssyncadd.s32 $0xFFFFD800  }
0x107: {  	_ =	swait.ge [sflag:s14], $0x2800  }
0x108: {  	[sflag:s14] =	ssyncset.done $0x0  }
0x109: {  	[sflag:s14] =	ssyncadd.s32 $0xFFFFD800  }
0x10a: {  	_ =	swait.ge [sflag:s14], $0x2800  }
0x10b: {  	[sflag:s14] =	ssyncset.done $0x0  }
0x10c: {  	[sflag:s14] =	ssyncadd.s32 $0xFFFFD800  }
0x10d: {  	_ =	swait.ge [sflag:s14], $0x2800  }
0x10e: {  	[sflag:s14] =	ssyncset.done $0x0  }
0x10f: {  	[sflag:s14] =	ssyncadd.s32 $0xFFFFD800  }
.Ltmp0:
0x110: {  	_ =	swait.ge [sflag:s14], $0x2800;
	(pc) =	sbr.rel @p0 .LBB2_2-.Ltmp0, $4  }
0x111: {  	[sflag:s14] =	ssyncset.done $0x0  }
0x112: {  	[sflag:s14] =	ssyncadd.s32 $0xFFFFD800  }
0x113: {  	_ =	swait.ge [sflag:s14], $0x2800  }
0x114: {  	s19 =	smov.u32 s17;
	[sflag:s14] =	ssyncset.done $0x0  }
0x115: {  	s16 =	sshra.s32 s16, $0x2;
	[sflag:s14] =	ssyncadd.s32 $0xFFFFD800  }
0x116: {  	[spmem:s2] =	stream.indirect.scatter.add.f32 [tilespmem:s12], [sflag:$0x1], $0x80, s16, s13, $0xb8;
	[tilespmem:$0x1A800] =	vst v63  }
0x117: {  	s17 =	sadd.s32 $0x80, s16  }
0x118: {  	[spmem:s2] =	stream.indirect.scatter.add.f32 [tilespmem:s12], [sflag:$0x1], $0x80, s17, s13, $0xb8;
	[tilespmem:$0x1A800] =	vst v63  }
0x119: {  	s22 =	sadd.s32 $0x100, s16  }
0x11a: {  	[spmem:s2] =	stream.indirect.scatter.add.f32 [tilespmem:s12], [sflag:$0x1], $0x80, s22, s13, $0xb8;
	[tilespmem:$0x1A800] =	vst v63  }
0x11b: {  	s23 =	sadd.s32 $0x180, s16  }
0x11c: {  	[spmem:s2] =	stream.indirect.scatter.add.f32 [tilespmem:s12], [sflag:$0x1], $0x80, s23, s13, $0xb8;
	[tilespmem:$0x1A800] =	vst v63  }
0x11d: {  	s24 =	sadd.s32 $0x200, s16  }
0x11e: {  	[spmem:s2] =	stream.indirect.scatter.add.f32 [tilespmem:s12], [sflag:$0x1], $0x80, s24, s13, $0xb8;
	[tilespmem:$0x1A800] =	vst v63  }
0x11f: {  	s25 =	sadd.s32 $0x280, s16  }
0x120: {  	[spmem:s2] =	stream.indirect.scatter.add.f32 [tilespmem:s12], [sflag:$0x1], $0x80, s25, s13, $0xb8;
	[tilespmem:$0x1A800] =	vst v63  }
0x121: {  	s26 =	sadd.s32 $0x300, s16  }
0x122: {  	[spmem:s2] =	stream.indirect.scatter.add.f32 [tilespmem:s12], [sflag:$0x1], $0x80, s26, s13, $0xb8;
	[tilespmem:$0x1A800] =	vst v63  }
0x123: {  	s28 =	sadd.s32 $0x380, s16  }
0x124: {  	[spmem:s2] =	stream.indirect.scatter.add.f32 [tilespmem:s12], [sflag:$0x1], $0x80, s28, s13, $0xb8;
	[tilespmem:$0x1A800] =	vst v63  }
0x125: {  	s29 =	sadd.s32 $0x400, s16  }
0x126: {  	[spmem:s2] =	stream.indirect.scatter.add.f32 [tilespmem:s12], [sflag:$0x1], $0x80, s29, s13, $0xb8;
	[tilespmem:$0x1A800] =	vst v63  }
0x127: {  	s30 =	sadd.s32 $0x480, s16  }
0x128: {  	[spmem:s2] =	stream.indirect.scatter.add.f32 [tilespmem:s12], [sflag:$0x1], $0x80, s30, s13, $0xb8;
	[tilespmem:$0x1A800] =	vst v63  }
0x129: {  	s31 =	sadd.s32 $0x500, s16  }
0x12a: {  	[spmem:s2] =	stream.indirect.scatter.add.f32 [tilespmem:s12], [sflag:$0x1], $0x80, s31, s13, $0xb8;
	[tilespmem:$0x1A800] =	vst v63  }
0x12b: {  	s18 =	sadd.s32 $0x580, s16  }
0x12c: {  	[spmem:s2] =	stream.indirect.scatter.add.f32 [tilespmem:s12], [sflag:$0x1], $0x80, s18, s13, $0xb8;
	[tilespmem:$0x1A800] =	vst v63  }
0x12d: {  	s19 =	sadd.s32 $0x600, s16  }
0x12e: {  	[spmem:s2] =	stream.indirect.scatter.add.f32 [tilespmem:s12], [sflag:$0x1], $0x80, s19, s13, $0xb8;
	[tilespmem:$0x1A800] =	vst v63  }
0x12f: {  	s20 =	sadd.s32 $0x680, s16  }
0x130: {  	[spmem:s2] =	stream.indirect.scatter.add.f32 [tilespmem:s12], [sflag:$0x1], $0x80, s20, s13, $0xb8;
	[tilespmem:$0x1A800] =	vst v63  }
0x131: {  	s21 =	sadd.s32 $0x700, s16  }
0x132: {  	[spmem:s2] =	stream.indirect.scatter.add.f32 [tilespmem:s12], [sflag:$0x1], $0x80, s21, s13, $0xb8;
	[tilespmem:$0x1A800] =	vst v63  }
0x133: {  	s22 =	sadd.s32 $0x780, s16  }
0x134: {  	[spmem:s2] =	stream.indirect.scatter.add.f32 [tilespmem:s12], [sflag:$0x1], $0x80, s22, s13, $0xb8;
	[tilespmem:$0x1A800] =	vst v63  }
0x135: {  	s23 =	sadd.s32 $0x800, s16  }
0x136: {  	[spmem:s2] =	stream.indirect.scatter.add.f32 [tilespmem:s12], [sflag:$0x1], $0x80, s23, s13, $0xb8;
	[tilespmem:$0x1A800] =	vst v63  }
0x137: {  	s24 =	sadd.s32 $0x880, s16  }
0x138: {  	[spmem:s2] =	stream.indirect.scatter.add.f32 [tilespmem:s12], [sflag:$0x1], $0x80, s24, s13, $0xb8;
	[tilespmem:$0x1A800] =	vst v63  }
0x139: {  	s25 =	sadd.s32 $0x900, s16  }
0x13a: {  	[spmem:s2] =	stream.indirect.scatter.add.f32 [tilespmem:s12], [sflag:$0x1], $0x80, s25, s13, $0xb8;
	[tilespmem:$0x1A800] =	vst v63  }
0x13b: {  	s26 =	sadd.s32 $0x980, s16  }
0x13c: {  	[spmem:s2] =	stream.indirect.scatter.add.f32 [tilespmem:s12], [sflag:$0x1], $0x80, s26, s13, $0xb8;
	[tilespmem:$0x1A800] =	vst v63  }
0x13d: {  	s28 =	sadd.s32 $0xA00, s16  }
0x13e: {  	[spmem:s2] =	stream.indirect.scatter.add.f32 [tilespmem:s12], [sflag:$0x1], $0x80, s28, s13, $0xb8;
	[tilespmem:$0x1A800] =	vst v63  }
0x13f: {  	s29 =	sadd.s32 $0xA80, s16  }
0x140: {  	[spmem:s2] =	stream.indirect.scatter.add.f32 [tilespmem:s12], [sflag:$0x1], $0x80, s29, s13, $0xb8;
	[tilespmem:$0x1A800] =	vst v63  }
0x141: {  	s30 =	sadd.s32 $0xB00, s16  }
0x142: {  	[spmem:s2] =	stream.indirect.scatter.add.f32 [tilespmem:s12], [sflag:$0x1], $0x80, s30, s13, $0xb8;
	[tilespmem:$0x1A800] =	vst v63  }
0x143: {  	s31 =	sadd.s32 $0xB80, s16  }
0x144: {  	[spmem:s2] =	stream.indirect.scatter.add.f32 [tilespmem:s12], [sflag:$0x1], $0x80, s31, s13, $0xb8;
	[tilespmem:$0x1A800] =	vst v63  }
0x145: {  	s16 =	sadd.s32 $0xC00, s16  }
0x146: {  	[spmem:s2] =	stream.indirect.scatter.add.f32 [tilespmem:s12], [sflag:$0x1], $0x80, s16, s13, $0xb8;
	[tilespmem:$0x1A800] =	vst v63  }
0x147: {  	_ =	swait.ge [sflag:s14], $0x2800  }
0x148: {  	[sflag:s14] =	ssyncset.done $0x0  }
0x149: {  	[sflag:s14] =	ssyncadd.s32 $0xFFFFD800  }
0x14a: {  	_ =	swait.ge [sflag:s14], $0x2800  }
0x14b: {  	[sflag:s14] =	ssyncset.done $0x0  }
0x14c: {  	[sflag:s14] =	ssyncadd.s32 $0xFFFFD800  }
0x14d: {  	_ =	swait.ge [sflag:s14], $0x2800  }
0x14e: {  	[sflag:s14] =	ssyncset.done $0x0  }
0x14f: {  	[sflag:s14] =	ssyncadd.s32 $0xFFFFD800  }
0x150: {  	_ =	swait.ge [sflag:s14], $0x2800  }
0x151: {  	[sflag:s14] =	ssyncset.done $0x0  }
0x152: {  	[sflag:s14] =	ssyncadd.s32 $0xFFFFD800  }
0x153: {  	_ =	swait.ge [sflag:s14], $0x2800  }
0x154: {  	[sflag:s14] =	ssyncset.done $0x0  }
0x155: {  	[sflag:s14] =	ssyncadd.s32 $0xFFFFD800  }
0x156: {  	_ =	swait.ge [sflag:s14], $0x2800  }
0x157: {  	[sflag:s14] =	ssyncset.done $0x0  }
0x158: {  	[sflag:s14] =	ssyncadd.s32 $0xFFFFD800  }
0x159: {  	_ =	swait.ge [sflag:s14], $0x2800  }
0x15a: {  	[sflag:s14] =	ssyncset.done $0x0  }
0x15b: {  	[sflag:s14] =	ssyncadd.s32 $0xFFFFD800  }
0x15c: {  	_ =	swait.ge [sflag:s14], $0x2800  }
0x15d: {  	[sflag:s14] =	ssyncset.done $0x0  }
0x15e: {  	[sflag:s14] =	ssyncadd.s32 $0xFFFFD800  }
0x15f: {  	_ =	swait.ge [sflag:s14], $0x2800  }
0x160: {  	[sflag:s14] =	ssyncset.done $0x0  }
0x161: {  	[sflag:s14] =	ssyncadd.s32 $0xFFFFD800  }
0x162: {  	_ =	swait.ge [sflag:s14], $0x2800  }
0x163: {  	[sflag:s14] =	ssyncset.done $0x0  }
0x164: {  	[sflag:s14] =	ssyncadd.s32 $0xFFFFD800  }
0x165: {  	_ =	swait.ge [sflag:s14], $0x2800  }
0x166: {  	[sflag:s14] =	ssyncset.done $0x0  }
0x167: {  	[sflag:s14] =	ssyncadd.s32 $0xFFFFD800  }
0x168: {  	_ =	swait.ge [sflag:s14], $0x2800  }
0x169: {  	[sflag:s14] =	ssyncset.done $0x0  }
0x16a: {  	[sflag:s14] =	ssyncadd.s32 $0xFFFFD800  }
0x16b: {  	_ =	swait.ge [sflag:s14], $0x2800  }
0x16c: {  	[sflag:s14] =	ssyncset.done $0x0  }
0x16d: {  	[sflag:s14] =	ssyncadd.s32 $0xFFFFD800  }
0x16e: {  	_ =	swait.ge [sflag:s14], $0x2800  }
0x16f: {  	[sflag:s14] =	ssyncset.done $0x0  }
0x170: {  	[sflag:s14] =	ssyncadd.s32 $0xFFFFD800  }
0x171: {  	_ =	swait.ge [sflag:s14], $0x2800  }
0x172: {  	[sflag:s14] =	ssyncset.done $0x0  }
0x173: {  	[sflag:s14] =	ssyncadd.s32 $0xFFFFD800  }
0x174: {  	_ =	swait.ge [sflag:s14], $0x2800  }
0x175: {  	[sflag:s14] =	ssyncset.done $0x0  }
0x176: {  	[sflag:s14] =	ssyncadd.s32 $0xFFFFD800  }
0x177: {  	_ =	swait.ge [sflag:s14], $0x2800  }
0x178: {  	[sflag:s14] =	ssyncset.done $0x0  }
0x179: {  	[sflag:s14] =	ssyncadd.s32 $0xFFFFD800  }
0x17a: {  	_ =	swait.ge [sflag:s14], $0x2800  }
0x17b: {  	[sflag:s14] =	ssyncset.done $0x0  }
0x17c: {  	[sflag:s14] =	ssyncadd.s32 $0xFFFFD800  }
0x17d: {  	_ =	swait.ge [sflag:s14], $0x2800  }
0x17e: {  	[sflag:s14] =	ssyncset.done $0x0  }
0x17f: {  	[sflag:s14] =	ssyncadd.s32 $0xFFFFD800  }
0x180: {  	_ =	swait.ge [sflag:s14], $0x2800  }
0x181: {  	[sflag:s14] =	ssyncset.done $0x0  }
0x182: {  	[sflag:s14] =	ssyncadd.s32 $0xFFFFD800  }
0x183: {  	_ =	swait.ge [sflag:s14], $0x2800  }
0x184: {  	[sflag:s14] =	ssyncset.done $0x0  }
0x185: {  	[sflag:s14] =	ssyncadd.s32 $0xFFFFD800  }
0x186: {  	_ =	swait.ge [sflag:s14], $0x2800  }
0x187: {  	[sflag:s14] =	ssyncset.done $0x0  }
0x188: {  	[sflag:s14] =	ssyncadd.s32 $0xFFFFD800  }
0x189: {  	_ =	swait.ge [sflag:s14], $0x2800  }
0x18a: {  	[sflag:s14] =	ssyncset.done $0x0  }
0x18b: {  	[sflag:s14] =	ssyncadd.s32 $0xFFFFD800  }
0x18c: {  	_ =	swait.ge [sflag:s14], $0x2800  }
0x18d: {  	[sflag:s14] =	ssyncset.done $0x0  }
0x18e: {  	[sflag:s14] =	ssyncadd.s32 $0xFFFFD800  }
0x18f: {  	_ =	swait.ge [sflag:s14], $0x2800  }
0x190: {  	s15 =	sadd.s32 $0x1, s15;
	[sflag:s14] =	ssyncset.done $0x0  }
0x191: {  	p0 =	sne.s32 s15, s9;
	[sflag:s14] =	ssyncadd.s32 $0xFFFFD800  }
.Ltmp1:
0x192: {  	[bflag:$0x0] =	sbarrier.arrive $0xFFFF;
	(pc) =	sbr.rel @p0 .LBB2_1-.Ltmp1, $4  }
0x193: {  	[hbm:s8], [sflag:s6] =	dma.local [spmem:s10], $0x2800  }
0x194: {  	_ =	swait.ge [sflag:s11], $0x2800  }
0x195: {  	[sflag:s11] =	ssyncset.done $0x0  }
0x196: {  	[sflag:s11] =	ssyncadd.s32 $0xFFFFD800  }
0x197: {  	_ =	sfence.sel $0x180000  }
0x198: {  	[bflag:$0x0] =	sbarrier.arrive $0xFFFF  }
0x199: {  	p0 =	sne.s32 s0, $0x0;
	_ =	strace $0x9000004A  }
0x19a: {  	s0 =	sadd.s32 @!p0 $0x100000, s1;
	[bflag:$0x2] =	sbarrier.arrive $0xFFFF  }
0x19b: {  	[sflag:s0] =	ssyncadd.tile.s32 @!p0 $0x1;
	_ =	shalt  }
.Lfunc_end2:
_tile_overlayer_lowered:
.L_overlay_start_2:
0x19c: {  	(tag) =	ssettag $0x2  }
0x19d: {  	s0 =	rddreg [dreg:$0x0];
	s2 =	stileid.u32  }
0x19e: {  	s1 =	rddreg [dreg:$0x1];
	p0 =	sne.s32 s2, $0x0  }
0x19f: {  	s3 =	rddreg [dreg:$0x2];
	[bflag:$0x3] =	sbarrier.arrive $0xFFFF;
	s2 =	simm.s32 @!p0 $0x1C02  }
0x1a0: {  	[timem:s3], [sflag:s2] =	dma.local @!p0 [hbm:s0], s1  }
0x1a1: {  	s0 =	simm.s32 @!p0 $0x2  }
0x1a2: {  	_ =	swait.ge @!p0 [sflag:s0], s1  }
0x1a3: {  	s1 =	ssub.s32 @!p0 $0x0, s1;
	[sflag:s0] =	ssyncset.done @!p0 $0x0  }
0x1a4: {  	[sflag:s0] =	ssyncadd.s32 @!p0 s1  }
0x1a5: {  	[bflag:$0x3] =	sbarrier.arrive $0xFFFF  }
0x1a6: {  	_ =	shalt  }

</sc_bundles>
